<compile_context>
chip_gen: v7x
topology: tpu7x:2x2x1
jax: 0.10.2.dev20260603
libtpu: 0.0.44.dev20260713+nightly
codegen_flags: <defaults>
</compile_context>

<pallas_src>
import functools

import jax
import jax.numpy as jnp
from jax import lax
from jax.experimental import pallas as pl
from jax.experimental.pallas import tpu as pltpu
from jax.experimental.pallas import tpu_sc as plsc

_N = 10000
_E = 320000
_IN = 200
_H = 5
_C = 10
_HC = 50
_G = 16
_D = 64
_DD = 16
_OFF = 14
_NC = 2
_NS = 16
_NW = _NC * _NS
_EPT = _E // _NW
_B = 100
_NCH = _EPT // _B
_STRIPE = 1000
_NSTRIPE = _N // _STRIPE



def _node_tables_body(x_ref, w_ref, as_ref, ad_ref, st_ref, dt_ref):
  xb = x_ref[...]
  xp = lax.dot_general(xb, w_ref[...], (((1,), (1,)), ((), ())),
                       preferred_element_type=jnp.float32)
  a_s = jnp.dot(xp, as_ref[...], preferred_element_type=jnp.float32)
  a_d = jnp.dot(xp, ad_ref[...], preferred_element_type=jnp.float32)
  t = a_s + a_d
  s = jnp.maximum(t, 0.2 * t)
  rows = xb.shape[0]
  st_ref[...] = jnp.concatenate(
      [a_s, jnp.zeros((rows, _OFF - _H), jnp.float32), xp], axis=1)
  dt_ref[...] = jnp.concatenate(
      [a_d, s, jnp.zeros((rows, _DD - 2 * _H), jnp.float32)], axis=1)


def _node_tables(x, w, a_src_m, a_dst_m):
  blk = 400
  grid = _N // blk
  return pl.pallas_call(
      _node_tables_body,
      grid=(grid,),
      in_specs=[
          pl.BlockSpec((blk, _IN), lambda i: (i, 0)),
          pl.BlockSpec((_HC, _IN), lambda i: (0, 0)),
          pl.BlockSpec((_HC, _H), lambda i: (0, 0)),
          pl.BlockSpec((_HC, _H), lambda i: (0, 0)),
      ],
      out_specs=[
          pl.BlockSpec((blk, _D), lambda i: (i, 0)),
          pl.BlockSpec((blk, _DD), lambda i: (i, 0)),
      ],
      out_shape=[
          jax.ShapeDtypeStruct((_N, _D), jnp.float32),
          jax.ShapeDtypeStruct((_N, _DD), jnp.float32),
      ],
  )(x, w, a_src_m, a_dst_m)



def _sc_edge_body(src_tab, dst_tab, ei_src, ei_dst, zeros_tab, acc_out,
                  sidx_all, didx_all, srcbuf, dstbuf, acc,
                  gsem0, gsem1, gsem2, gsem3, ssem0, ssem1, ssem2, ssem3):
  cid = lax.axis_index("c")
  sid = lax.axis_index("s")
  wid = sid * _NC + cid

  @pl.when(sid < _NSTRIPE)
  def _():
    pltpu.sync_copy(zeros_tab, acc.at[pl.ds(sid * _STRIPE, _STRIPE)])

  pltpu.sync_copy(ei_src.at[pl.ds(wid * _NCH, _NCH)], sidx_all)
  pltpu.sync_copy(ei_dst.at[pl.ds(wid * _NCH, _NCH)], didx_all)
  plsc.subcore_barrier()

  iota16 = lax.iota(jnp.int32, 16)

  def step(th):
    return jnp.minimum(jnp.maximum(iota16 - (th - 1), 0), 1)

  gidx = [iota16 * 0, step(8), 1 + step(2) + step(12), 3 + step(6)]
  qoff = (0, 16, 32, 48)
  sidx_shift = jnp.minimum(iota16 + _H, 2 * _H - 1)
  m_lt5 = (1 - step(_H)).astype(jnp.float32)
  m_geoff = step(_OFF).astype(jnp.float32)

  def _tga(v, idx):
    return jnp.take_along_axis(v, idx, axis=0, mode="promise_in_bounds")

  gsems = (gsem0, gsem1, gsem2, gsem3)
  ssems = (ssem0, ssem1, ssem2, ssem3)

  def issue_gathers(b, ch):
    pltpu.async_copy(src_tab.at[sidx_all.at[ch]], srcbuf.at[b], gsems[b])
    pltpu.async_copy(dst_tab.at[didx_all.at[ch]], dstbuf.at[b], gsems[b])

  def wait_gathers(b, ch):
    pltpu.make_async_copy(src_tab.at[sidx_all.at[ch]], srcbuf.at[b],
                          gsems[b]).wait()
    pltpu.make_async_copy(dst_tab.at[didx_all.at[ch]], dstbuf.at[b],
                          gsems[b]).wait()

  def issue_scatter(b, ch):
    pltpu.async_copy(srcbuf.at[b], acc.at[didx_all.at[ch]], ssems[b],
                     add=True)

  def wait_scatter(b, ch):
    pltpu.make_async_copy(srcbuf.at[b], acc.at[didx_all.at[ch]],
                          ssems[b]).wait()

  def compute(b):
    @plsc.parallel_loop(0, _B, unroll=4)
    def _(e):
      vd = dstbuf[b, e, :]
      vs = [srcbuf[b, e, pl.ds(q, 16)] for q in qoff]
      alpha = vs[0] + vd
      lr = jnp.maximum(alpha, 0.2 * alpha)
      exv = jnp.exp(lr - _tga(vd, sidx_shift))
      srcbuf[b, e, pl.ds(0, 16)] = (
          exv * m_lt5 + vs[0] * _tga(exv, gidx[0]) * m_geoff)
      for k in range(1, 4):
        srcbuf[b, e, pl.ds(qoff[k], 16)] = vs[k] * _tga(exv, gidx[k])

  issue_gathers(0, 0)
  issue_gathers(1, 1)

  def quad(i, carry):
    for b in range(4):
      ch = 4 * i + b
      wait_gathers(b, ch)
      compute(b)
      issue_scatter(b, ch)
      nb = (b + 2) % 4
      if b < 2:
        @pl.when(ch >= 2)
        def _():
          wait_scatter(nb, ch)
      else:
        wait_scatter(nb, ch)

      @pl.when(ch + 2 < _NCH)
      def _():
        issue_gathers(nb, ch + 2)
    return carry

  lax.fori_loop(0, _NCH // 4, quad, 0)
  wait_scatter(2, _NCH - 2)
  wait_scatter(3, _NCH - 1)

  plsc.subcore_barrier()

  @pl.when(sid < _NSTRIPE)
  def _():
    pltpu.sync_copy(
        acc.at[pl.ds(sid * _STRIPE, _STRIPE)],
        acc_out.at[pl.ds(cid * _N + sid * _STRIPE, _STRIPE)])


def _sc_edge(src_tab, dst_tab, ei_src, ei_dst, zeros_tab):
  mesh = plsc.VectorSubcoreMesh(core_axis_name="c", subcore_axis_name="s")
  fn = pl.kernel(
      _sc_edge_body,
      out_type=jax.ShapeDtypeStruct((_NC * _N, _D), jnp.float32),
      mesh=mesh,
      compiler_params=pltpu.CompilerParams(use_tc_tiling_on_sc=False),
      scratch_types=[
          pltpu.VMEM((_NCH, _B), jnp.int32),
          pltpu.VMEM((_NCH, _B), jnp.int32),
          pltpu.VMEM((4, _B, _D), jnp.float32),
          pltpu.VMEM((4, _B, _DD), jnp.float32),
          pltpu.VMEM_SHARED((_N, _D), jnp.float32),
          pltpu.SemaphoreType.DMA,
          pltpu.SemaphoreType.DMA,
          pltpu.SemaphoreType.DMA,
          pltpu.SemaphoreType.DMA,
          pltpu.SemaphoreType.DMA,
          pltpu.SemaphoreType.DMA,
          pltpu.SemaphoreType.DMA,
          pltpu.SemaphoreType.DMA,
      ],
  )
  return fn(src_tab, dst_tab, ei_src.reshape(_NW * _NCH, _B),
            ei_dst.reshape(_NW * _NCH, _B), zeros_tab)



def _finish_body(acc_ref, st_ref, batch_ref, bias_ref, linw_ref, linb_ref,
                 epx_ref, h_ref, out_ref):
  acc = acc_ref[pl.ds(0, _N), :] + acc_ref[pl.ds(_N, _N), :]
  st = st_ref[...]
  col = lax.broadcasted_iota(jnp.int32, (_N, _D), 1)
  self_row = jnp.where(col < _H, 1.0, jnp.where(col < _OFF, 0.0, st))
  tot = acc + self_row
  den = tot[:, 0:_H]
  num = tot[:, _OFF:_OFF + _HC]
  den50 = jnp.dot(den, epx_ref[...], preferred_element_type=jnp.float32)
  p = num / (den50 + 1e-16) + bias_ref[...]
  h1 = jnp.where(p > 0, p, jnp.exp(jnp.minimum(p, 0.0)) - 1.0)
  b = batch_ref[...]
  gids = lax.broadcasted_iota(jnp.int32, (_G, _N), 0)
  onehot = (gids == b).astype(jnp.float32)
  hsum = jnp.dot(onehot, h1, preferred_element_type=jnp.float32)
  cnt = jnp.sum(onehot, axis=1, keepdims=True)
  pooled = hsum / jnp.maximum(cnt, 1.0)
  logits = jnp.sum(pooled * linw_ref[...], axis=1, keepdims=True) + linb_ref[0, 0]
  h_ref[...] = pooled
  out_ref[...] = 1.0 / (1.0 + jnp.exp(-logits))


def _finish(acc2, src_tab, batch2, bias2, lin_w, lin_b2, epx):
  return pl.pallas_call(
      _finish_body,
      out_shape=[
          jax.ShapeDtypeStruct((_G, _HC), jnp.float32),
          jax.ShapeDtypeStruct((_G, 1), jnp.float32),
      ],
  )(acc2, src_tab, batch2, bias2, lin_w, lin_b2, epx)



def kernel(x, edge_index, batch, W, att_src, att_dst, bias, lin_w, lin_b):
  eye = jnp.eye(_H, dtype=jnp.float32)
  a_src_m = (att_src[:, :, None] * eye[:, None, :]).reshape(_HC, _H)
  a_dst_m = (att_dst[:, :, None] * eye[:, None, :]).reshape(_HC, _H)
  epx = jnp.repeat(eye, _C, axis=1)

  src_tab, dst_tab = _node_tables(x, W, a_src_m, a_dst_m)

  zeros_tab = jnp.zeros((_STRIPE, _D), jnp.float32)
  acc2 = _sc_edge(src_tab, dst_tab, edge_index[0], edge_index[1], zeros_tab)

  h, out = _finish(acc2, src_tab, batch.reshape(1, _N),
                   bias.reshape(1, _HC), lin_w, lin_b.reshape(1, 1), epx)
  return (h, out)

# --- scband reference (transcript-rebuilt; emitter-appended) ---
"""Pipeline reference for scband-gatclassifier-30313879175196 (READ-ONLY COPY).

The authoritative reference and input builder live on the scoring server;
editing this copy changes nothing except your own understanding.
"""

import jax, jax.numpy as jnp
import numpy as np

N = 10000
E = 320000
IN = 200
H = 5
C = 10
G = 16

def setup_inputs(seed: int = 0):
    key = jax.random.key(seed)
    ks = jax.random.split(key, 9)
    x = jax.random.normal(ks[0], (N, IN), dtype=jnp.float32)
    edge_index = jax.random.randint(ks[1], (2, E), 0, N, dtype=jnp.int32)
    batch = jnp.sort(jax.random.randint(ks[2], (N,), 0, G, dtype=jnp.int32))
    W = jax.random.normal(ks[3], (H * C, IN), dtype=jnp.float32) * 0.1
    att_src = jax.random.normal(ks[4], (H, C), dtype=jnp.float32) * 0.1
    att_dst = jax.random.normal(ks[5], (H, C), dtype=jnp.float32) * 0.1
    bias = jnp.zeros((H * C,), dtype=jnp.float32)
    lin_w = jax.random.normal(ks[6], (1, H * C), dtype=jnp.float32) * 0.1
    lin_b = jnp.zeros((1,), dtype=jnp.float32)
    return {"x": x, "edge_index": edge_index, "batch": batch, "W": W,
            "att_src": att_src, "att_dst": att_dst, "bias": bias,
            "lin_w": lin_w, "lin_b": lin_b}

def gat_conv(x, edge_index, W, att_src, att_dst, bias):
    # PyG GATConv(200, 10, heads=5): concat=True, add_self_loops=True, slope=0.2
    xp = (x @ W.T).reshape(N, H, C)
    a_src = jnp.sum(xp * att_src[None], axis=-1)  # [N, H]
    a_dst = jnp.sum(xp * att_dst[None], axis=-1)  # [N, H]
    loops = jnp.arange(N, dtype=edge_index.dtype)
    src = jnp.concatenate([edge_index[0], loops])
    dst = jnp.concatenate([edge_index[1], loops])
    alpha = a_src[src] + a_dst[dst]               # [E+N, H]
    alpha = jax.nn.leaky_relu(alpha, negative_slope=0.2)
    amax = jax.ops.segment_max(alpha, dst, num_segments=N)
    amax = jnp.where(jnp.isfinite(amax), amax, 0.0)
    ex = jnp.exp(alpha - amax[dst])
    denom = jax.ops.segment_sum(ex, dst, num_segments=N)
    att = ex / (denom[dst] + 1e-16)
    msg = xp[src] * att[..., None]                # [E+N, H, C]
    out = jax.ops.segment_sum(msg, dst, num_segments=N)
    return out.reshape(N, H * C) + bias

def global_mean_pool(x, batch):
    s = jax.ops.segment_sum(x, batch, num_segments=G)
    cnt = jax.ops.segment_sum(jnp.ones((x.shape[0], 1), x.dtype), batch, num_segments=G)
    return s / jnp.maximum(cnt, 1.0)

def reference(x, edge_index, batch, W, att_src, att_dst, bias, lin_w, lin_b):
    h1 = jax.nn.elu(gat_conv(x, edge_index, W, att_src, att_dst, bias))
    h = global_mean_pool(h1, batch)  # dropout p=0.5 is identity in eval mode
    out = jax.nn.sigmoid(h @ lin_w.T + lin_b)
    return (h, out)

if __name__ == "__main__":
    import jax
    _d = setup_inputs()
    print(jax.jit(kernel)(*tuple(_d.values())))

</pallas_src>

<mosaic_0001>
#map = affine_map<(d0, d1) -> (0, 0)>
module attributes {stable_mosaic.version = 14 : i64} {
  func.func @_sc_edge_body(%arg0: i32, %arg1: i32, %arg2: memref<10000x64xf32, #tpu.memory_space<hbm>>, %arg3: memref<10000x16xf32, #tpu.memory_space<hbm>>, %arg4: memref<3200x100xi32, #tpu.memory_space<hbm>>, %arg5: memref<3200x100xi32, #tpu.memory_space<hbm>>, %arg6: memref<1000x64xf32, #tpu.memory_space<hbm>>, %arg7: memref<20000x64xf32, #tpu.memory_space<hbm>>, %arg8: memref<100x100xi32, #tpu.memory_space<vmem>>, %arg9: memref<100x100xi32, #tpu.memory_space<vmem>>, %arg10: memref<4x100x64xf32, #tpu.memory_space<vmem>>, %arg11: memref<4x100x16xf32, #tpu.memory_space<vmem>>, %arg12: memref<10000x64xf32, #tpu.memory_space<vmem_shared>>, %arg13: memref<!tpu.dma_semaphore, #tpu.memory_space<semaphore_mem>>, %arg14: memref<!tpu.dma_semaphore, #tpu.memory_space<semaphore_mem>>, %arg15: memref<!tpu.dma_semaphore, #tpu.memory_space<semaphore_mem>>, %arg16: memref<!tpu.dma_semaphore, #tpu.memory_space<semaphore_mem>>, %arg17: memref<!tpu.dma_semaphore, #tpu.memory_space<semaphore_mem>>, %arg18: memref<!tpu.dma_semaphore, #tpu.memory_space<semaphore_mem>>, %arg19: memref<!tpu.dma_semaphore, #tpu.memory_space<semaphore_mem>>, %arg20: memref<!tpu.dma_semaphore, #tpu.memory_space<semaphore_mem>>) attributes {dimension_semantics = [#tpu.dimension_semantics<core_parallel>, #tpu.dimension_semantics<subcore_parallel>], iteration_bounds = array<i64: 2, 16>, scalar_prefetch = 0 : i64, scratch_operands = 13 : i64, tpu.core_type = #tpu.core_type<sc_vector_subcore>, window_params = [{transform_indices = #map}, {transform_indices = #map}, {transform_indices = #map}, {transform_indices = #map}, {transform_indices = #map}, {transform_indices = #map}]} {
    %mul3A = arith.constant 2 : i32
    %mul3A_0 = arith.muli %arg1, %mul3A : i32
    %add3A = arith.addi %mul3A_0, %arg0 : i32
    %lt3A = arith.constant 10 : i32
    %lt3A_1 = arith.cmpi slt, %arg1, %lt3A : i32
    %convert_element_type3A = arith.extui %lt3A_1 : i1 to i32
    %cond3A = arith.constant 0 : i32
    %cond3A_2 = arith.cmpi ne, %convert_element_type3A, %cond3A : i32
    scf.if %cond3A_2 {
      %mul3A_160 = arith.constant 1000 : i32
      %mul3A_161 = arith.muli %arg1, %mul3A_160 : i32
      "tpu.region"() ({
        %run_scoped3A = tpu.sem_alloc : memref<!tpu.dma_semaphore, #tpu.memory_space<semaphore_mem>>
        %dma_start3A_162 = arith.constant 0 : i32
        %dma_start3A_163 = tpu.memref_slice %arg12[%mul3A_161, %dma_start3A_162] : memref<10000x64xf32, #tpu.memory_space<vmem_shared>> -> memref<1000x64xf32, #tpu.memory_space<vmem_shared>>
        tpu.enqueue_dma source(%arg6 : memref<1000x64xf32, #tpu.memory_space<hbm>>) target(%dma_start3A_163 : memref<1000x64xf32, #tpu.memory_space<vmem_shared>>) target_semaphore(%run_scoped3A : memref<!tpu.dma_semaphore, #tpu.memory_space<semaphore_mem>>)
        %dma_wait3A_164 = arith.constant 0 : i32
        %dma_wait3A_165 = tpu.memref_slice %arg12[%mul3A_161, %dma_wait3A_164] : memref<10000x64xf32, #tpu.memory_space<vmem_shared>> -> memref<1000x64xf32, #tpu.memory_space<vmem_shared>>
        tpu.wait_dma2 semaphore(%run_scoped3A : memref<!tpu.dma_semaphore, #tpu.memory_space<semaphore_mem>>) src(%arg6 : memref<1000x64xf32, #tpu.memory_space<hbm>>) dst(%dma_wait3A_165 : memref<1000x64xf32, #tpu.memory_space<vmem_shared>>)
        tpu.yield
      }) : () -> ()
    } else {
    }
    %mul3A_3 = arith.constant 100 : i32
    %mul3A_4 = arith.muli %add3A, %mul3A_3 : i32
    "tpu.region"() ({
      %run_scoped3A = tpu.sem_alloc : memref<!tpu.dma_semaphore, #tpu.memory_space<semaphore_mem>>
      %dma_start3A_160 = arith.constant 0 : i32
      %dma_start3A_161 = tpu.memref_slice %arg4[%mul3A_4, %dma_start3A_160] : memref<3200x100xi32, #tpu.memory_space<hbm>> -> memref<100x100xi32, #tpu.memory_space<hbm>>
      %dma_start3A_162 = arith.constant 0 : i32
      %dma_start3A_163 = tpu.memref_slice %arg4[%mul3A_4, %dma_start3A_162] : memref<3200x100xi32, #tpu.memory_space<hbm>> -> memref<100x100xi32, #tpu.memory_space<hbm>>
      tpu.enqueue_dma source(%dma_start3A_163 : memref<100x100xi32, #tpu.memory_space<hbm>>) target(%arg8 : memref<100x100xi32, #tpu.memory_space<vmem>>) target_semaphore(%run_scoped3A : memref<!tpu.dma_semaphore, #tpu.memory_space<semaphore_mem>>)
      %dma_wait3A_164 = arith.constant 0 : i32
      %dma_wait3A_165 = tpu.memref_slice %arg4[%mul3A_4, %dma_wait3A_164] : memref<3200x100xi32, #tpu.memory_space<hbm>> -> memref<100x100xi32, #tpu.memory_space<hbm>>
      %dma_wait3A_166 = arith.constant 0 : i32
      %dma_wait3A_167 = tpu.memref_slice %arg4[%mul3A_4, %dma_wait3A_166] : memref<3200x100xi32, #tpu.memory_space<hbm>> -> memref<100x100xi32, #tpu.memory_space<hbm>>
      tpu.wait_dma2 semaphore(%run_scoped3A : memref<!tpu.dma_semaphore, #tpu.memory_space<semaphore_mem>>) src(%dma_wait3A_167 : memref<100x100xi32, #tpu.memory_space<hbm>>) dst(%arg8 : memref<100x100xi32, #tpu.memory_space<vmem>>)
      tpu.yield
    }) : () -> ()
    %mul3A_5 = arith.constant 100 : i32
    %mul3A_6 = arith.muli %add3A, %mul3A_5 : i32
    "tpu.region"() ({
      %run_scoped3A = tpu.sem_alloc : memref<!tpu.dma_semaphore, #tpu.memory_space<semaphore_mem>>
      %dma_start3A_160 = arith.constant 0 : i32
      %dma_start3A_161 = tpu.memref_slice %arg5[%mul3A_6, %dma_start3A_160] : memref<3200x100xi32, #tpu.memory_space<hbm>> -> memref<100x100xi32, #tpu.memory_space<hbm>>
      %dma_start3A_162 = arith.constant 0 : i32
      %dma_start3A_163 = tpu.memref_slice %arg5[%mul3A_6, %dma_start3A_162] : memref<3200x100xi32, #tpu.memory_space<hbm>> -> memref<100x100xi32, #tpu.memory_space<hbm>>
      tpu.enqueue_dma source(%dma_start3A_163 : memref<100x100xi32, #tpu.memory_space<hbm>>) target(%arg9 : memref<100x100xi32, #tpu.memory_space<vmem>>) target_semaphore(%run_scoped3A : memref<!tpu.dma_semaphore, #tpu.memory_space<semaphore_mem>>)
      %dma_wait3A_164 = arith.constant 0 : i32
      %dma_wait3A_165 = tpu.memref_slice %arg5[%mul3A_6, %dma_wait3A_164] : memref<3200x100xi32, #tpu.memory_space<hbm>> -> memref<100x100xi32, #tpu.memory_space<hbm>>
      %dma_wait3A_166 = arith.constant 0 : i32
      %dma_wait3A_167 = tpu.memref_slice %arg5[%mul3A_6, %dma_wait3A_166] : memref<3200x100xi32, #tpu.memory_space<hbm>> -> memref<100x100xi32, #tpu.memory_space<hbm>>
      tpu.wait_dma2 semaphore(%run_scoped3A : memref<!tpu.dma_semaphore, #tpu.memory_space<semaphore_mem>>) src(%dma_wait3A_167 : memref<100x100xi32, #tpu.memory_space<hbm>>) dst(%arg9 : memref<100x100xi32, #tpu.memory_space<vmem>>)
      tpu.yield
    }) : () -> ()
    %barrier3A = arith.constant 0 : index
    tpu.barrier barrier_id(%barrier3A)
    %iota3A = tpu.iota {dimensions = array<i32: 0>} : vector<16xi32>
    %mul3A_7 = arith.constant 0 : i32
    %mul3A_8 = vector.broadcast %mul3A_7 : i32 to vector<16xi32>
    %mul3A_9 = arith.muli %iota3A, %mul3A_8 : vector<16xi32>
    %sub3A = arith.constant 7 : i32
    %sub3A_10 = vector.broadcast %sub3A : i32 to vector<16xi32>
    %sub3A_11 = arith.subi %iota3A, %sub3A_10 : vector<16xi32>
    %max3A = arith.constant 0 : i32
    %max3A_12 = vector.broadcast %max3A : i32 to vector<16xi32>
    %max3A_13 = arith.maxsi %sub3A_11, %max3A_12 : vector<16xi32>
    %min3A = arith.constant 1 : i32
    %min3A_14 = vector.broadcast %min3A : i32 to vector<16xi32>
    %min3A_15 = arith.minsi %max3A_13, %min3A_14 : vector<16xi32>
    %sub3A_16 = arith.constant 1 : i32
    %sub3A_17 = vector.broadcast %sub3A_16 : i32 to vector<16xi32>
    %sub3A_18 = arith.subi %iota3A, %sub3A_17 : vector<16xi32>
    %max3A_19 = arith.constant 0 : i32
    %max3A_20 = vector.broadcast %max3A_19 : i32 to vector<16xi32>
    %max3A_21 = arith.maxsi %sub3A_18, %max3A_20 : vector<16xi32>
    %min3A_22 = arith.constant 1 : i32
    %min3A_23 = vector.broadcast %min3A_22 : i32 to vector<16xi32>
    %min3A_24 = arith.minsi %max3A_21, %min3A_23 : vector<16xi32>
    %add3A_25 = arith.constant 1 : i32
    %add3A_26 = vector.broadcast %add3A_25 : i32 to vector<16xi32>
    %add3A_27 = arith.addi %add3A_26, %min3A_24 : vector<16xi32>
    %sub3A_28 = arith.constant 11 : i32
    %sub3A_29 = vector.broadcast %sub3A_28 : i32 to vector<16xi32>
    %sub3A_30 = arith.subi %iota3A, %sub3A_29 : vector<16xi32>
    %max3A_31 = arith.constant 0 : i32
    %max3A_32 = vector.broadcast %max3A_31 : i32 to vector<16xi32>
    %max3A_33 = arith.maxsi %sub3A_30, %max3A_32 : vector<16xi32>
    %min3A_34 = arith.constant 1 : i32
    %min3A_35 = vector.broadcast %min3A_34 : i32 to vector<16xi32>
    %min3A_36 = arith.minsi %max3A_33, %min3A_35 : vector<16xi32>
    %add3A_37 = arith.addi %add3A_27, %min3A_36 : vector<16xi32>
    %sub3A_38 = arith.constant 5 : i32
    %sub3A_39 = vector.broadcast %sub3A_38 : i32 to vector<16xi32>
    %sub3A_40 = arith.subi %iota3A, %sub3A_39 : vector<16xi32>
    %max3A_41 = arith.constant 0 : i32
    %max3A_42 = vector.broadcast %max3A_41 : i32 to vector<16xi32>
    %max3A_43 = arith.maxsi %sub3A_40, %max3A_42 : vector<16xi32>
    %min3A_44 = arith.constant 1 : i32
    %min3A_45 = vector.broadcast %min3A_44 : i32 to vector<16xi32>
    %min3A_46 = arith.minsi %max3A_43, %min3A_45 : vector<16xi32>
    %add3A_47 = arith.constant 3 : i32
    %add3A_48 = vector.broadcast %add3A_47 : i32 to vector<16xi32>
    %add3A_49 = arith.addi %add3A_48, %min3A_46 : vector<16xi32>
    %add3A_50 = arith.constant 5 : i32
    %add3A_51 = vector.broadcast %add3A_50 : i32 to vector<16xi32>
    %add3A_52 = arith.addi %iota3A, %add3A_51 : vector<16xi32>
    %min3A_53 = arith.constant 9 : i32
    %min3A_54 = vector.broadcast %min3A_53 : i32 to vector<16xi32>
    %min3A_55 = arith.minsi %add3A_52, %min3A_54 : vector<16xi32>
    %sub3A_56 = arith.constant 4 : i32
    %sub3A_57 = vector.broadcast %sub3A_56 : i32 to vector<16xi32>
    %sub3A_58 = arith.subi %iota3A, %sub3A_57 : vector<16xi32>
    %max3A_59 = arith.constant 0 : i32
    %max3A_60 = vector.broadcast %max3A_59 : i32 to vector<16xi32>
    %max3A_61 = arith.maxsi %sub3A_58, %max3A_60 : vector<16xi32>
    %min3A_62 = arith.constant 1 : i32
    %min3A_63 = vector.broadcast %min3A_62 : i32 to vector<16xi32>
    %min3A_64 = arith.minsi %max3A_61, %min3A_63 : vector<16xi32>
    %sub3A_65 = arith.constant 1 : i32
    %sub3A_66 = vector.broadcast %sub3A_65 : i32 to vector<16xi32>
    %sub3A_67 = arith.subi %sub3A_66, %min3A_64 : vector<16xi32>
    %convert_element_type3A_68 = arith.sitofp %sub3A_67 : vector<16xi32> to vector<16xf32>
    %sub3A_69 = arith.constant 13 : i32
    %sub3A_70 = vector.broadcast %sub3A_69 : i32 to vector<16xi32>
    %sub3A_71 = arith.subi %iota3A, %sub3A_70 : vector<16xi32>
    %max3A_72 = arith.constant 0 : i32
    %max3A_73 = vector.broadcast %max3A_72 : i32 to vector<16xi32>
    %max3A_74 = arith.maxsi %sub3A_71, %max3A_73 : vector<16xi32>
    %min3A_75 = arith.constant 1 : i32
    %min3A_76 = vector.broadcast %min3A_75 : i32 to vector<16xi32>
    %min3A_77 = arith.minsi %max3A_74, %min3A_76 : vector<16xi32>
    %convert_element_type3A_78 = arith.sitofp %min3A_77 : vector<16xi32> to vector<16xf32>
    %dma_start3A = arith.constant 0 : i32
    %dma_start3A_79 = arith.constant 0 : i32
    %dma_start3A_80 = arith.constant 0 : i32
    %dma_start3A_81 = arith.constant 0 : i32
    %dma_start3A_82 = tpu.memref_slice %arg10[%dma_start3A_79, %dma_start3A_80, %dma_start3A_81] : memref<4x100x64xf32, #tpu.memory_space<vmem>> -> memref<1x100x64xf32, #tpu.memory_space<vmem>>
    %dma_start3A_83 = tpu.memref_squeeze %dma_start3A_82 : memref<1x100x64xf32, #tpu.memory_space<vmem>> -> memref<100x64xf32, #tpu.memory_space<vmem>>
    %dma_start3A_84 = arith.constant 0 : i32
    %dma_start3A_85 = tpu.memref_slice %arg8[%dma_start3A, %dma_start3A_84] : memref<100x100xi32, #tpu.memory_space<vmem>> -> memref<1x100xi32, #tpu.memory_space<vmem>>
    %dma_start3A_86 = tpu.memref_squeeze %dma_start3A_85 : memref<1x100xi32, #tpu.memory_space<vmem>> -> memref<100xi32, #tpu.memory_space<vmem>>
    %dma_start3A_87 = arith.constant 0 : i32
    %dma_start3A_88 = arith.constant 0 : i32
    %dma_start3A_89 = tpu.memref_slice %arg2[%dma_start3A_87, %dma_start3A_88] : memref<10000x64xf32, #tpu.memory_space<hbm>> -> memref<10000x64xf32, #tpu.memory_space<hbm>>
    tpu.enqueue_indirect_dma source(%dma_start3A_89 : memref<10000x64xf32, #tpu.memory_space<hbm>>) target(%dma_start3A_83 : memref<100x64xf32, #tpu.memory_space<vmem>>) offsets(%dma_start3A_86 : memref<100xi32, #tpu.memory_space<vmem>>) semaphore(%arg13 : memref<!tpu.dma_semaphore, #tpu.memory_space<semaphore_mem>>)
    %dma_start3A_90 = arith.constant 0 : i32
    %dma_start3A_91 = arith.constant 0 : i32
    %dma_start3A_92 = arith.constant 0 : i32
    %dma_start3A_93 = arith.constant 0 : i32
    %dma_start3A_94 = tpu.memref_slice %arg11[%dma_start3A_91, %dma_start3A_92, %dma_start3A_93] : memref<4x100x16xf32, #tpu.memory_space<vmem>> -> memref<1x100x16xf32, #tpu.memory_space<vmem>>
    %dma_start3A_95 = tpu.memref_squeeze %dma_start3A_94 : memref<1x100x16xf32, #tpu.memory_space<vmem>> -> memref<100x16xf32, #tpu.memory_space<vmem>>
    %dma_start3A_96 = arith.constant 0 : i32
    %dma_start3A_97 = tpu.memref_slice %arg9[%dma_start3A_90, %dma_start3A_96] : memref<100x100xi32, #tpu.memory_space<vmem>> -> memref<1x100xi32, #tpu.memory_space<vmem>>
    %dma_start3A_98 = tpu.memref_squeeze %dma_start3A_97 : memref<1x100xi32, #tpu.memory_space<vmem>> -> memref<100xi32, #tpu.memory_space<vmem>>
    %dma_start3A_99 = arith.constant 0 : i32
    %dma_start3A_100 = arith.constant 0 : i32
    %dma_start3A_101 = tpu.memref_slice %arg3[%dma_start3A_99, %dma_start3A_100] : memref<10000x16xf32, #tpu.memory_space<hbm>> -> memref<10000x16xf32, #tpu.memory_space<hbm>>
    tpu.enqueue_indirect_dma source(%dma_start3A_101 : memref<10000x16xf32, #tpu.memory_space<hbm>>) target(%dma_start3A_95 : memref<100x16xf32, #tpu.memory_space<vmem>>) offsets(%dma_start3A_98 : memref<100xi32, #tpu.memory_space<vmem>>) semaphore(%arg13 : memref<!tpu.dma_semaphore, #tpu.memory_space<semaphore_mem>>)
    %dma_start3A_102 = arith.constant 1 : i32
    %dma_start3A_103 = arith.constant 1 : i32
    %dma_start3A_104 = arith.constant 0 : i32
    %dma_start3A_105 = arith.constant 0 : i32
    %dma_start3A_106 = tpu.memref_slice %arg10[%dma_start3A_103, %dma_start3A_104, %dma_start3A_105] : memref<4x100x64xf32, #tpu.memory_space<vmem>> -> memref<1x100x64xf32, #tpu.memory_space<vmem>>
    %dma_start3A_107 = tpu.memref_squeeze %dma_start3A_106 : memref<1x100x64xf32, #tpu.memory_space<vmem>> -> memref<100x64xf32, #tpu.memory_space<vmem>>
    %dma_start3A_108 = arith.constant 0 : i32
    %dma_start3A_109 = tpu.memref_slice %arg8[%dma_start3A_102, %dma_start3A_108] : memref<100x100xi32, #tpu.memory_space<vmem>> -> memref<1x100xi32, #tpu.memory_space<vmem>>
    %dma_start3A_110 = tpu.memref_squeeze %dma_start3A_109 : memref<1x100xi32, #tpu.memory_space<vmem>> -> memref<100xi32, #tpu.memory_space<vmem>>
    %dma_start3A_111 = arith.constant 0 : i32
    %dma_start3A_112 = arith.constant 0 : i32
    %dma_start3A_113 = tpu.memref_slice %arg2[%dma_start3A_111, %dma_start3A_112] : memref<10000x64xf32, #tpu.memory_space<hbm>> -> memref<10000x64xf32, #tpu.memory_space<hbm>>
    tpu.enqueue_indirect_dma source(%dma_start3A_113 : memref<10000x64xf32, #tpu.memory_space<hbm>>) target(%dma_start3A_107 : memref<100x64xf32, #tpu.memory_space<vmem>>) offsets(%dma_start3A_110 : memref<100xi32, #tpu.memory_space<vmem>>) semaphore(%arg14 : memref<!tpu.dma_semaphore, #tpu.memory_space<semaphore_mem>>)
    %dma_start3A_114 = arith.constant 1 : i32
    %dma_start3A_115 = arith.constant 1 : i32
    %dma_start3A_116 = arith.constant 0 : i32
    %dma_start3A_117 = arith.constant 0 : i32
    %dma_start3A_118 = tpu.memref_slice %arg11[%dma_start3A_115, %dma_start3A_116, %dma_start3A_117] : memref<4x100x16xf32, #tpu.memory_space<vmem>> -> memref<1x100x16xf32, #tpu.memory_space<vmem>>
    %dma_start3A_119 = tpu.memref_squeeze %dma_start3A_118 : memref<1x100x16xf32, #tpu.memory_space<vmem>> -> memref<100x16xf32, #tpu.memory_space<vmem>>
    %dma_start3A_120 = arith.constant 0 : i32
    %dma_start3A_121 = tpu.memref_slice %arg9[%dma_start3A_114, %dma_start3A_120] : memref<100x100xi32, #tpu.memory_space<vmem>> -> memref<1x100xi32, #tpu.memory_space<vmem>>
    %dma_start3A_122 = tpu.memref_squeeze %dma_start3A_121 : memref<1x100xi32, #tpu.memory_space<vmem>> -> memref<100xi32, #tpu.memory_space<vmem>>
    %dma_start3A_123 = arith.constant 0 : i32
    %dma_start3A_124 = arith.constant 0 : i32
    %dma_start3A_125 = tpu.memref_slice %arg3[%dma_start3A_123, %dma_start3A_124] : memref<10000x16xf32, #tpu.memory_space<hbm>> -> memref<10000x16xf32, #tpu.memory_space<hbm>>
    tpu.enqueue_indirect_dma source(%dma_start3A_125 : memref<10000x16xf32, #tpu.memory_space<hbm>>) target(%dma_start3A_119 : memref<100x16xf32, #tpu.memory_space<vmem>>) offsets(%dma_start3A_122 : memref<100xi32, #tpu.memory_space<vmem>>) semaphore(%arg14 : memref<!tpu.dma_semaphore, #tpu.memory_space<semaphore_mem>>)
    %scan3A = arith.constant 0 : i32
    %scan3A_126 = arith.constant 0 : i32
    %scan3A_127 = arith.constant 25 : i32
    %scan3A_128 = arith.addi %scan3A_126, %scan3A_127 : i32
    %scan3A_129 = arith.constant 1 : i32
    scf.for %scan3A_160 = %scan3A_126 to %scan3A_128 step %scan3A_129  : i32 {
      %mul3A_161 = arith.constant 4 : i32
      %mul3A_162 = arith.muli %mul3A_161, %scan3A_160 : i32
      %add3A_163 = arith.constant 0 : i32
      %add3A_164 = arith.addi %mul3A_162, %add3A_163 : i32
      %dma_wait3A_165 = arith.constant 0 : i32
      %dma_wait3A_166 = arith.constant 0 : i32
      %dma_wait3A_167 = arith.constant 0 : i32
      %dma_wait3A_168 = tpu.memref_slice %arg10[%dma_wait3A_165, %dma_wait3A_166, %dma_wait3A_167] : memref<4x100x64xf32, #tpu.memory_space<vmem>> -> memref<1x100x64xf32, #tpu.memory_space<vmem>>
      %dma_wait3A_169 = tpu.memref_squeeze %dma_wait3A_168 : memref<1x100x64xf32, #tpu.memory_space<vmem>> -> memref<100x64xf32, #tpu.memory_space<vmem>>
      %dma_wait3A_170 = arith.constant 0 : i32
      %dma_wait3A_171 = tpu.memref_slice %arg8[%add3A_164, %dma_wait3A_170] : memref<100x100xi32, #tpu.memory_space<vmem>> -> memref<1x100xi32, #tpu.memory_space<vmem>>
      %dma_wait3A_172 = tpu.memref_squeeze %dma_wait3A_171 : memref<1x100xi32, #tpu.memory_space<vmem>> -> memref<100xi32, #tpu.memory_space<vmem>>
      %dma_wait3A_173 = arith.constant 0 : i32
      %dma_wait3A_174 = arith.constant 0 : i32
      %dma_wait3A_175 = tpu.memref_slice %arg2[%dma_wait3A_173, %dma_wait3A_174] : memref<10000x64xf32, #tpu.memory_space<hbm>> -> memref<10000x64xf32, #tpu.memory_space<hbm>>
      tpu.wait_indirect_dma semaphore(%arg13 : memref<!tpu.dma_semaphore, #tpu.memory_space<semaphore_mem>>) src(%dma_wait3A_175 : memref<10000x64xf32, #tpu.memory_space<hbm>>) dst(%dma_wait3A_169 : memref<100x64xf32, #tpu.memory_space<vmem>>)
      %dma_wait3A_176 = arith.constant 0 : i32
      %dma_wait3A_177 = arith.constant 0 : i32
      %dma_wait3A_178 = arith.constant 0 : i32
      %dma_wait3A_179 = tpu.memref_slice %arg11[%dma_wait3A_176, %dma_wait3A_177, %dma_wait3A_178] : memref<4x100x16xf32, #tpu.memory_space<vmem>> -> memref<1x100x16xf32, #tpu.memory_space<vmem>>
      %dma_wait3A_180 = tpu.memref_squeeze %dma_wait3A_179 : memref<1x100x16xf32, #tpu.memory_space<vmem>> -> memref<100x16xf32, #tpu.memory_space<vmem>>
      %dma_wait3A_181 = arith.constant 0 : i32
      %dma_wait3A_182 = tpu.memref_slice %arg9[%add3A_164, %dma_wait3A_181] : memref<100x100xi32, #tpu.memory_space<vmem>> -> memref<1x100xi32, #tpu.memory_space<vmem>>
      %dma_wait3A_183 = tpu.memref_squeeze %dma_wait3A_182 : memref<1x100xi32, #tpu.memory_space<vmem>> -> memref<100xi32, #tpu.memory_space<vmem>>
      %dma_wait3A_184 = arith.constant 0 : i32
      %dma_wait3A_185 = arith.constant 0 : i32
      %dma_wait3A_186 = tpu.memref_slice %arg3[%dma_wait3A_184, %dma_wait3A_185] : memref<10000x16xf32, #tpu.memory_space<hbm>> -> memref<10000x16xf32, #tpu.memory_space<hbm>>
      tpu.wait_indirect_dma semaphore(%arg13 : memref<!tpu.dma_semaphore, #tpu.memory_space<semaphore_mem>>) src(%dma_wait3A_186 : memref<10000x16xf32, #tpu.memory_space<hbm>>) dst(%dma_wait3A_180 : memref<100x16xf32, #tpu.memory_space<vmem>>)
      %parallel_loop3A = arith.constant 0 : i32
      %parallel_loop3A_187 = arith.constant 100 : i32
      %parallel_loop3A_188 = arith.constant 1 : i32
      scf.for %parallel_loop3A_379 = %parallel_loop3A to %parallel_loop3A_187 step %parallel_loop3A_188  : i32 {
        %parallel_loop3A_380 = arith.constant 0 : i32
        %parallel_loop3A_381 = arith.index_cast %parallel_loop3A_380 : i32 to index
        %parallel_loop3A_382 = arith.index_cast %parallel_loop3A_379 : i32 to index
        %parallel_loop3A_383 = arith.constant 0 : index
        %parallel_loop3A_384 = tpu.vector_load %arg11[%parallel_loop3A_381, %parallel_loop3A_382, %parallel_loop3A_383] {strides = array<i32>} : memref<4x100x16xf32, #tpu.memory_space<vmem>>, vector<1x1x16xf32>,
        %parallel_loop3A_385 = vector.shape_cast %parallel_loop3A_384 : vector<1x1x16xf32> to vector<16xf32>
        %parallel_loop3A_386 = arith.constant 0 : i32
        %parallel_loop3A_387 = arith.index_cast %parallel_loop3A_386 : i32 to index
        %parallel_loop3A_388 = arith.index_cast %parallel_loop3A_379 : i32 to index
        %parallel_loop3A_389 = arith.constant 0 : index
        %parallel_loop3A_390 = tpu.vector_load %arg10[%parallel_loop3A_387, %parallel_loop3A_388, %parallel_loop3A_389] {strides = array<i32>} : memref<4x100x64xf32, #tpu.memory_space<vmem>>, vector<1x1x16xf32>,
        %parallel_loop3A_391 = vector.shape_cast %parallel_loop3A_390 : vector<1x1x16xf32> to vector<16xf32>
        %parallel_loop3A_392 = arith.constant 0 : i32
        %parallel_loop3A_393 = arith.index_cast %parallel_loop3A_392 : i32 to index
        %parallel_loop3A_394 = arith.index_cast %parallel_loop3A_379 : i32 to index
        %parallel_loop3A_395 = arith.constant 16 : index
        %parallel_loop3A_396 = tpu.vector_load %arg10[%parallel_loop3A_393, %parallel_loop3A_394, %parallel_loop3A_395] {strides = array<i32>} : memref<4x100x64xf32, #tpu.memory_space<vmem>>, vector<1x1x16xf32>,
        %parallel_loop3A_397 = vector.shape_cast %parallel_loop3A_396 : vector<1x1x16xf32> to vector<16xf32>
        %parallel_loop3A_398 = arith.constant 0 : i32
        %parallel_loop3A_399 = arith.index_cast %parallel_loop3A_398 : i32 to index
        %parallel_loop3A_400 = arith.index_cast %parallel_loop3A_379 : i32 to index
        %parallel_loop3A_401 = arith.constant 32 : index
        %parallel_loop3A_402 = tpu.vector_load %arg10[%parallel_loop3A_399, %parallel_loop3A_400, %parallel_loop3A_401] {strides = array<i32>} : memref<4x100x64xf32, #tpu.memory_space<vmem>>, vector<1x1x16xf32>,
        %parallel_loop3A_403 = vector.shape_cast %parallel_loop3A_402 : vector<1x1x16xf32> to vector<16xf32>
        %parallel_loop3A_404 = arith.constant 0 : i32
        %parallel_loop3A_405 = arith.index_cast %parallel_loop3A_404 : i32 to index
        %parallel_loop3A_406 = arith.index_cast %parallel_loop3A_379 : i32 to index
        %parallel_loop3A_407 = arith.constant 48 : index
        %parallel_loop3A_408 = tpu.vector_load %arg10[%parallel_loop3A_405, %parallel_loop3A_406, %parallel_loop3A_407] {strides = array<i32>} : memref<4x100x64xf32, #tpu.memory_space<vmem>>, vector<1x1x16xf32>,
        %parallel_loop3A_409 = vector.shape_cast %parallel_loop3A_408 : vector<1x1x16xf32> to vector<16xf32>
        %parallel_loop3A_410 = arith.addf %parallel_loop3A_391, %parallel_loop3A_385 : vector<16xf32>
        %parallel_loop3A_411 = arith.constant 2.000000e-01 : f32
        %parallel_loop3A_412 = vector.broadcast %parallel_loop3A_411 : f32 to vector<16xf32>
        %parallel_loop3A_413 = arith.mulf %parallel_loop3A_412, %parallel_loop3A_410 : vector<16xf32>
        %parallel_loop3A_414 = arith.maximumf %parallel_loop3A_410, %parallel_loop3A_413 : vector<16xf32>
        %parallel_loop3A_415 = vector.shape_cast %min3A_55 : vector<16xi32> to vector<16x1xi32>
        %parallel_loop3A_416 = vector.shape_cast %parallel_loop3A_415 : vector<16x1xi32> to vector<16xi32>
        %parallel_loop3A_417 = tpu.dynamic_gather %parallel_loop3A_385[%parallel_loop3A_416] in [0] : vector<16xf32>, vector<16xi32> -> vector<16xf32>
        %parallel_loop3A_418 = arith.subf %parallel_loop3A_414, %parallel_loop3A_417 : vector<16xf32>
        %parallel_loop3A_419 = math.exp %parallel_loop3A_418 : vector<16xf32>
        %parallel_loop3A_420 = arith.mulf %parallel_loop3A_419, %convert_element_type3A_68 : vector<16xf32>
        %parallel_loop3A_421 = vector.shape_cast %mul3A_9 : vector<16xi32> to vector<16x1xi32>
        %parallel_loop3A_422 = vector.shape_cast %parallel_loop3A_421 : vector<16x1xi32> to vector<16xi32>
        %parallel_loop3A_423 = tpu.dynamic_gather %parallel_loop3A_419[%parallel_loop3A_422] in [0] : vector<16xf32>, vector<16xi32> -> vector<16xf32>
        %parallel_loop3A_424 = arith.mulf %parallel_loop3A_391, %parallel_loop3A_423 : vector<16xf32>
        %parallel_loop3A_425 = arith.mulf %parallel_loop3A_424, %convert_element_type3A_78 : vector<16xf32>
        %parallel_loop3A_426 = arith.addf %parallel_loop3A_420, %parallel_loop3A_425 : vector<16xf32>
        %parallel_loop3A_427 = arith.constant 0 : i32
        %parallel_loop3A_428 = arith.index_cast %parallel_loop3A_427 : i32 to index
        %parallel_loop3A_429 = arith.index_cast %parallel_loop3A_379 : i32 to index
        %parallel_loop3A_430 = arith.constant 0 : index
        %parallel_loop3A_431 = tpu.vector_load %arg10[%parallel_loop3A_428, %parallel_loop3A_429, %parallel_loop3A_430] {strides = array<i32>} : memref<4x100x64xf32, #tpu.memory_space<vmem>>, vector<1x1x16xf32>,
        %parallel_loop3A_432 = vector.shape_cast %parallel_loop3A_431 : vector<1x1x16xf32> to vector<16xf32>
        %parallel_loop3A_433 = vector.shape_cast %parallel_loop3A_426 : vector<16xf32> to vector<1x1x16xf32>
        tpu.vector_store %arg10[%parallel_loop3A_428, %parallel_loop3A_429, %parallel_loop3A_430], %parallel_loop3A_433 {strides = array<i32>} : memref<4x100x64xf32, #tpu.memory_space<vmem>>, vector<1x1x16xf32>,
        %parallel_loop3A_434 = vector.shape_cast %min3A_15 : vector<16xi32> to vector<16x1xi32>
        %parallel_loop3A_435 = vector.shape_cast %parallel_loop3A_434 : vector<16x1xi32> to vector<16xi32>
        %parallel_loop3A_436 = tpu.dynamic_gather %parallel_loop3A_419[%parallel_loop3A_435] in [0] : vector<16xf32>, vector<16xi32> -> vector<16xf32>
        %parallel_loop3A_437 = arith.mulf %parallel_loop3A_397, %parallel_loop3A_436 : vector<16xf32>
        %parallel_loop3A_438 = arith.constant 0 : i32
        %parallel_loop3A_439 = arith.index_cast %parallel_loop3A_438 : i32 to index
        %parallel_loop3A_440 = arith.index_cast %parallel_loop3A_379 : i32 to index
        %parallel_loop3A_441 = arith.constant 16 : index
        %parallel_loop3A_442 = tpu.vector_load %arg10[%parallel_loop3A_439, %parallel_loop3A_440, %parallel_loop3A_441] {strides = array<i32>} : memref<4x100x64xf32, #tpu.memory_space<vmem>>, vector<1x1x16xf32>,
        %parallel_loop3A_443 = vector.shape_cast %parallel_loop3A_442 : vector<1x1x16xf32> to vector<16xf32>
        %parallel_loop3A_444 = vector.shape_cast %parallel_loop3A_437 : vector<16xf32> to vector<1x1x16xf32>
        tpu.vector_store %arg10[%parallel_loop3A_439, %parallel_loop3A_440, %parallel_loop3A_441], %parallel_loop3A_444 {strides = array<i32>} : memref<4x100x64xf32, #tpu.memory_space<vmem>>, vector<1x1x16xf32>,
        %parallel_loop3A_445 = vector.shape_cast %add3A_37 : vector<16xi32> to vector<16x1xi32>
        %parallel_loop3A_446 = vector.shape_cast %parallel_loop3A_445 : vector<16x1xi32> to vector<16xi32>
        %parallel_loop3A_447 = tpu.dynamic_gather %parallel_loop3A_419[%parallel_loop3A_446] in [0] : vector<16xf32>, vector<16xi32> -> vector<16xf32>
        %parallel_loop3A_448 = arith.mulf %parallel_loop3A_403, %parallel_loop3A_447 : vector<16xf32>
        %parallel_loop3A_449 = arith.constant 0 : i32
        %parallel_loop3A_450 = arith.index_cast %parallel_loop3A_449 : i32 to index
        %parallel_loop3A_451 = arith.index_cast %parallel_loop3A_379 : i32 to index
        %parallel_loop3A_452 = arith.constant 32 : index
        %parallel_loop3A_453 = tpu.vector_load %arg10[%parallel_loop3A_450, %parallel_loop3A_451, %parallel_loop3A_452] {strides = array<i32>} : memref<4x100x64xf32, #tpu.memory_space<vmem>>, vector<1x1x16xf32>,
        %parallel_loop3A_454 = vector.shape_cast %parallel_loop3A_453 : vector<1x1x16xf32> to vector<16xf32>
        %parallel_loop3A_455 = vector.shape_cast %parallel_loop3A_448 : vector<16xf32> to vector<1x1x16xf32>
        tpu.vector_store %arg10[%parallel_loop3A_450, %parallel_loop3A_451, %parallel_loop3A_452], %parallel_loop3A_455 {strides = array<i32>} : memref<4x100x64xf32, #tpu.memory_space<vmem>>, vector<1x1x16xf32>,
        %parallel_loop3A_456 = vector.shape_cast %add3A_49 : vector<16xi32> to vector<16x1xi32>
        %parallel_loop3A_457 = vector.shape_cast %parallel_loop3A_456 : vector<16x1xi32> to vector<16xi32>
        %parallel_loop3A_458 = tpu.dynamic_gather %parallel_loop3A_419[%parallel_loop3A_457] in [0] : vector<16xf32>, vector<16xi32> -> vector<16xf32>
        %parallel_loop3A_459 = arith.mulf %parallel_loop3A_409, %parallel_loop3A_458 : vector<16xf32>
        %parallel_loop3A_460 = arith.constant 0 : i32
        %parallel_loop3A_461 = arith.index_cast %parallel_loop3A_460 : i32 to index
        %parallel_loop3A_462 = arith.index_cast %parallel_loop3A_379 : i32 to index
        %parallel_loop3A_463 = arith.constant 48 : index
        %parallel_loop3A_464 = tpu.vector_load %arg10[%parallel_loop3A_461, %parallel_loop3A_462, %parallel_loop3A_463] {strides = array<i32>} : memref<4x100x64xf32, #tpu.memory_space<vmem>>, vector<1x1x16xf32>,
        %parallel_loop3A_465 = vector.shape_cast %parallel_loop3A_464 : vector<1x1x16xf32> to vector<16xf32>
        %parallel_loop3A_466 = vector.shape_cast %parallel_loop3A_459 : vector<16xf32> to vector<1x1x16xf32>
        tpu.vector_store %arg10[%parallel_loop3A_461, %parallel_loop3A_462, %parallel_loop3A_463], %parallel_loop3A_466 {strides = array<i32>} : memref<4x100x64xf32, #tpu.memory_space<vmem>>, vector<1x1x16xf32>,
      } {sc.loop_unroll_factor = 4 : i64, sc.parallel_access}
      %dma_start3A_189 = arith.constant 0 : i32
      %dma_start3A_190 = arith.constant 0 : i32
      %dma_start3A_191 = arith.constant 0 : i32
      %dma_start3A_192 = tpu.memref_slice %arg10[%dma_start3A_189, %dma_start3A_190, %dma_start3A_191] : memref<4x100x64xf32, #tpu.memory_space<vmem>> -> memref<1x100x64xf32, #tpu.memory_space<vmem>>
      %dma_start3A_193 = tpu.memref_squeeze %dma_start3A_192 : memref<1x100x64xf32, #tpu.memory_space<vmem>> -> memref<100x64xf32, #tpu.memory_space<vmem>>
      %dma_start3A_194 = arith.constant 0 : i32
      %dma_start3A_195 = tpu.memref_slice %arg9[%add3A_164, %dma_start3A_194] : memref<100x100xi32, #tpu.memory_space<vmem>> -> memref<1x100xi32, #tpu.memory_space<vmem>>
      %dma_start3A_196 = tpu.memref_squeeze %dma_start3A_195 : memref<1x100xi32, #tpu.memory_space<vmem>> -> memref<100xi32, #tpu.memory_space<vmem>>
      %dma_start3A_197 = arith.constant 0 : i32
      %dma_start3A_198 = arith.constant 0 : i32
      %dma_start3A_199 = tpu.memref_slice %arg12[%dma_start3A_197, %dma_start3A_198] : memref<10000x64xf32, #tpu.memory_space<vmem_shared>> -> memref<10000x64xf32, #tpu.memory_space<vmem_shared>>
      tpu.enqueue_indirect_dma source(%dma_start3A_193 : memref<100x64xf32, #tpu.memory_space<vmem>>) target(%dma_start3A_199 : memref<10000x64xf32, #tpu.memory_space<vmem_shared>>) offsets(%dma_start3A_196 : memref<100xi32, #tpu.memory_space<vmem>>) semaphore(%arg17 : memref<!tpu.dma_semaphore, #tpu.memory_space<semaphore_mem>>) {add = true}
      %ge3A = arith.constant 2 : i32
      %ge3A_200 = arith.cmpi sge, %add3A_164, %ge3A : i32
      %convert_element_type3A_201 = arith.extui %ge3A_200 : i1 to i32
      %cond3A_202 = arith.constant 0 : i32
      %cond3A_203 = arith.cmpi ne, %convert_element_type3A_201, %cond3A_202 : i32
      scf.if %cond3A_203 {
        %dma_wait3A_379 = arith.constant 2 : i32
        %dma_wait3A_380 = arith.constant 0 : i32
        %dma_wait3A_381 = arith.constant 0 : i32
        %dma_wait3A_382 = tpu.memref_slice %arg10[%dma_wait3A_379, %dma_wait3A_380, %dma_wait3A_381] : memref<4x100x64xf32, #tpu.memory_space<vmem>> -> memref<1x100x64xf32, #tpu.memory_space<vmem>>
        %dma_wait3A_383 = tpu.memref_squeeze %dma_wait3A_382 : memref<1x100x64xf32, #tpu.memory_space<vmem>> -> memref<100x64xf32, #tpu.memory_space<vmem>>
        %dma_wait3A_384 = arith.constant 0 : i32
        %dma_wait3A_385 = tpu.memref_slice %arg9[%add3A_164, %dma_wait3A_384] : memref<100x100xi32, #tpu.memory_space<vmem>> -> memref<1x100xi32, #tpu.memory_space<vmem>>
        %dma_wait3A_386 = tpu.memref_squeeze %dma_wait3A_385 : memref<1x100xi32, #tpu.memory_space<vmem>> -> memref<100xi32, #tpu.memory_space<vmem>>
        %dma_wait3A_387 = arith.constant 0 : i32
        %dma_wait3A_388 = arith.constant 0 : i32
        %dma_wait3A_389 = tpu.memref_slice %arg12[%dma_wait3A_387, %dma_wait3A_388] : memref<10000x64xf32, #tpu.memory_space<vmem_shared>> -> memref<10000x64xf32, #tpu.memory_space<vmem_shared>>
        tpu.wait_indirect_dma semaphore(%arg19 : memref<!tpu.dma_semaphore, #tpu.memory_space<semaphore_mem>>) src(%dma_wait3A_383 : memref<100x64xf32, #tpu.memory_space<vmem>>) dst(%dma_wait3A_389 : memref<10000x64xf32, #tpu.memory_space<vmem_shared>>)
      } else {
      }
      %add3A_204 = arith.constant 2 : i32
      %add3A_205 = arith.addi %add3A_164, %add3A_204 : i32
      %lt3A_206 = arith.constant 100 : i32
      %lt3A_207 = arith.cmpi slt, %add3A_205, %lt3A_206 : i32
      %convert_element_type3A_208 = arith.extui %lt3A_207 : i1 to i32
      %cond3A_209 = arith.constant 0 : i32
      %cond3A_210 = arith.cmpi ne, %convert_element_type3A_208, %cond3A_209 : i32
      scf.if %cond3A_210 {
        %add3A_379 = arith.constant 2 : i32
        %add3A_380 = arith.addi %add3A_164, %add3A_379 : i32
        %dma_start3A_381 = arith.constant 2 : i32
        %dma_start3A_382 = arith.constant 0 : i32
        %dma_start3A_383 = arith.constant 0 : i32
        %dma_start3A_384 = tpu.memref_slice %arg10[%dma_start3A_381, %dma_start3A_382, %dma_start3A_383] : memref<4x100x64xf32, #tpu.memory_space<vmem>> -> memref<1x100x64xf32, #tpu.memory_space<vmem>>
        %dma_start3A_385 = tpu.memref_squeeze %dma_start3A_384 : memref<1x100x64xf32, #tpu.memory_space<vmem>> -> memref<100x64xf32, #tpu.memory_space<vmem>>
        %dma_start3A_386 = arith.constant 0 : i32
        %dma_start3A_387 = tpu.memref_slice %arg8[%add3A_380, %dma_start3A_386] : memref<100x100xi32, #tpu.memory_space<vmem>> -> memref<1x100xi32, #tpu.memory_space<vmem>>
        %dma_start3A_388 = tpu.memref_squeeze %dma_start3A_387 : memref<1x100xi32, #tpu.memory_space<vmem>> -> memref<100xi32, #tpu.memory_space<vmem>>
        %dma_start3A_389 = arith.constant 0 : i32
        %dma_start3A_390 = arith.constant 0 : i32
        %dma_start3A_391 = tpu.memref_slice %arg2[%dma_start3A_389, %dma_start3A_390] : memref<10000x64xf32, #tpu.memory_space<hbm>> -> memref<10000x64xf32, #tpu.memory_space<hbm>>
        tpu.enqueue_indirect_dma source(%dma_start3A_391 : memref<10000x64xf32, #tpu.memory_space<hbm>>) target(%dma_start3A_385 : memref<100x64xf32, #tpu.memory_space<vmem>>) offsets(%dma_start3A_388 : memref<100xi32, #tpu.memory_space<vmem>>) semaphore(%arg15 : memref<!tpu.dma_semaphore, #tpu.memory_space<semaphore_mem>>)
        %dma_start3A_392 = arith.constant 2 : i32
        %dma_start3A_393 = arith.constant 0 : i32
        %dma_start3A_394 = arith.constant 0 : i32
        %dma_start3A_395 = tpu.memref_slice %arg11[%dma_start3A_392, %dma_start3A_393, %dma_start3A_394] : memref<4x100x16xf32, #tpu.memory_space<vmem>> -> memref<1x100x16xf32, #tpu.memory_space<vmem>>
        %dma_start3A_396 = tpu.memref_squeeze %dma_start3A_395 : memref<1x100x16xf32, #tpu.memory_space<vmem>> -> memref<100x16xf32, #tpu.memory_space<vmem>>
        %dma_start3A_397 = arith.constant 0 : i32
        %dma_start3A_398 = tpu.memref_slice %arg9[%add3A_380, %dma_start3A_397] : memref<100x100xi32, #tpu.memory_space<vmem>> -> memref<1x100xi32, #tpu.memory_space<vmem>>
        %dma_start3A_399 = tpu.memref_squeeze %dma_start3A_398 : memref<1x100xi32, #tpu.memory_space<vmem>> -> memref<100xi32, #tpu.memory_space<vmem>>
        %dma_start3A_400 = arith.constant 0 : i32
        %dma_start3A_401 = arith.constant 0 : i32
        %dma_start3A_402 = tpu.memref_slice %arg3[%dma_start3A_400, %dma_start3A_401] : memref<10000x16xf32, #tpu.memory_space<hbm>> -> memref<10000x16xf32, #tpu.memory_space<hbm>>
        tpu.enqueue_indirect_dma source(%dma_start3A_402 : memref<10000x16xf32, #tpu.memory_space<hbm>>) target(%dma_start3A_396 : memref<100x16xf32, #tpu.memory_space<vmem>>) offsets(%dma_start3A_399 : memref<100xi32, #tpu.memory_space<vmem>>) semaphore(%arg15 : memref<!tpu.dma_semaphore, #tpu.memory_space<semaphore_mem>>)
      } else {
      }
      %mul3A_211 = arith.constant 4 : i32
      %mul3A_212 = arith.muli %mul3A_211, %scan3A_160 : i32
      %add3A_213 = arith.constant 1 : i32
      %add3A_214 = arith.addi %mul3A_212, %add3A_213 : i32
      %dma_wait3A_215 = arith.constant 1 : i32
      %dma_wait3A_216 = arith.constant 0 : i32
      %dma_wait3A_217 = arith.constant 0 : i32
      %dma_wait3A_218 = tpu.memref_slice %arg10[%dma_wait3A_215, %dma_wait3A_216, %dma_wait3A_217] : memref<4x100x64xf32, #tpu.memory_space<vmem>> -> memref<1x100x64xf32, #tpu.memory_space<vmem>>
      %dma_wait3A_219 = tpu.memref_squeeze %dma_wait3A_218 : memref<1x100x64xf32, #tpu.memory_space<vmem>> -> memref<100x64xf32, #tpu.memory_space<vmem>>
      %dma_wait3A_220 = arith.constant 0 : i32
      %dma_wait3A_221 = tpu.memref_slice %arg8[%add3A_214, %dma_wait3A_220] : memref<100x100xi32, #tpu.memory_space<vmem>> -> memref<1x100xi32, #tpu.memory_space<vmem>>
      %dma_wait3A_222 = tpu.memref_squeeze %dma_wait3A_221 : memref<1x100xi32, #tpu.memory_space<vmem>> -> memref<100xi32, #tpu.memory_space<vmem>>
      %dma_wait3A_223 = arith.constant 0 : i32
      %dma_wait3A_224 = arith.constant 0 : i32
      %dma_wait3A_225 = tpu.memref_slice %arg2[%dma_wait3A_223, %dma_wait3A_224] : memref<10000x64xf32, #tpu.memory_space<hbm>> -> memref<10000x64xf32, #tpu.memory_space<hbm>>
      tpu.wait_indirect_dma semaphore(%arg14 : memref<!tpu.dma_semaphore, #tpu.memory_space<semaphore_mem>>) src(%dma_wait3A_225 : memref<10000x64xf32, #tpu.memory_space<hbm>>) dst(%dma_wait3A_219 : memref<100x64xf32, #tpu.memory_space<vmem>>)
      %dma_wait3A_226 = arith.constant 1 : i32
      %dma_wait3A_227 = arith.constant 0 : i32
      %dma_wait3A_228 = arith.constant 0 : i32
      %dma_wait3A_229 = tpu.memref_slice %arg11[%dma_wait3A_226, %dma_wait3A_227, %dma_wait3A_228] : memref<4x100x16xf32, #tpu.memory_space<vmem>> -> memref<1x100x16xf32, #tpu.memory_space<vmem>>
      %dma_wait3A_230 = tpu.memref_squeeze %dma_wait3A_229 : memref<1x100x16xf32, #tpu.memory_space<vmem>> -> memref<100x16xf32, #tpu.memory_space<vmem>>
      %dma_wait3A_231 = arith.constant 0 : i32
      %dma_wait3A_232 = tpu.memref_slice %arg9[%add3A_214, %dma_wait3A_231] : memref<100x100xi32, #tpu.memory_space<vmem>> -> memref<1x100xi32, #tpu.memory_space<vmem>>
      %dma_wait3A_233 = tpu.memref_squeeze %dma_wait3A_232 : memref<1x100xi32, #tpu.memory_space<vmem>> -> memref<100xi32, #tpu.memory_space<vmem>>
      %dma_wait3A_234 = arith.constant 0 : i32
      %dma_wait3A_235 = arith.constant 0 : i32
      %dma_wait3A_236 = tpu.memref_slice %arg3[%dma_wait3A_234, %dma_wait3A_235] : memref<10000x16xf32, #tpu.memory_space<hbm>> -> memref<10000x16xf32, #tpu.memory_space<hbm>>
      tpu.wait_indirect_dma semaphore(%arg14 : memref<!tpu.dma_semaphore, #tpu.memory_space<semaphore_mem>>) src(%dma_wait3A_236 : memref<10000x16xf32, #tpu.memory_space<hbm>>) dst(%dma_wait3A_230 : memref<100x16xf32, #tpu.memory_space<vmem>>)
      %parallel_loop3A_237 = arith.constant 0 : i32
      %parallel_loop3A_238 = arith.constant 100 : i32
      %parallel_loop3A_239 = arith.constant 1 : i32
      scf.for %parallel_loop3A_379 = %parallel_loop3A_237 to %parallel_loop3A_238 step %parallel_loop3A_239  : i32 {
        %parallel_loop3A_380 = arith.constant 1 : i32
        %parallel_loop3A_381 = arith.index_cast %parallel_loop3A_380 : i32 to index
        %parallel_loop3A_382 = arith.index_cast %parallel_loop3A_379 : i32 to index
        %parallel_loop3A_383 = arith.constant 0 : index
        %parallel_loop3A_384 = tpu.vector_load %arg11[%parallel_loop3A_381, %parallel_loop3A_382, %parallel_loop3A_383] {strides = array<i32>} : memref<4x100x16xf32, #tpu.memory_space<vmem>>, vector<1x1x16xf32>,
        %parallel_loop3A_385 = vector.shape_cast %parallel_loop3A_384 : vector<1x1x16xf32> to vector<16xf32>
        %parallel_loop3A_386 = arith.constant 1 : i32
        %parallel_loop3A_387 = arith.index_cast %parallel_loop3A_386 : i32 to index
        %parallel_loop3A_388 = arith.index_cast %parallel_loop3A_379 : i32 to index
        %parallel_loop3A_389 = arith.constant 0 : index
        %parallel_loop3A_390 = tpu.vector_load %arg10[%parallel_loop3A_387, %parallel_loop3A_388, %parallel_loop3A_389] {strides = array<i32>} : memref<4x100x64xf32, #tpu.memory_space<vmem>>, vector<1x1x16xf32>,
        %parallel_loop3A_391 = vector.shape_cast %parallel_loop3A_390 : vector<1x1x16xf32> to vector<16xf32>
        %parallel_loop3A_392 = arith.constant 1 : i32
        %parallel_loop3A_393 = arith.index_cast %parallel_loop3A_392 : i32 to index
        %parallel_loop3A_394 = arith.index_cast %parallel_loop3A_379 : i32 to index
        %parallel_loop3A_395 = arith.constant 16 : index
        %parallel_loop3A_396 = tpu.vector_load %arg10[%parallel_loop3A_393, %parallel_loop3A_394, %parallel_loop3A_395] {strides = array<i32>} : memref<4x100x64xf32, #tpu.memory_space<vmem>>, vector<1x1x16xf32>,
        %parallel_loop3A_397 = vector.shape_cast %parallel_loop3A_396 : vector<1x1x16xf32> to vector<16xf32>
        %parallel_loop3A_398 = arith.constant 1 : i32
        %parallel_loop3A_399 = arith.index_cast %parallel_loop3A_398 : i32 to index
        %parallel_loop3A_400 = arith.index_cast %parallel_loop3A_379 : i32 to index
        %parallel_loop3A_401 = arith.constant 32 : index
        %parallel_loop3A_402 = tpu.vector_load %arg10[%parallel_loop3A_399, %parallel_loop3A_400, %parallel_loop3A_401] {strides = array<i32>} : memref<4x100x64xf32, #tpu.memory_space<vmem>>, vector<1x1x16xf32>,
        %parallel_loop3A_403 = vector.shape_cast %parallel_loop3A_402 : vector<1x1x16xf32> to vector<16xf32>
        %parallel_loop3A_404 = arith.constant 1 : i32
        %parallel_loop3A_405 = arith.index_cast %parallel_loop3A_404 : i32 to index
        %parallel_loop3A_406 = arith.index_cast %parallel_loop3A_379 : i32 to index
        %parallel_loop3A_407 = arith.constant 48 : index
        %parallel_loop3A_408 = tpu.vector_load %arg10[%parallel_loop3A_405, %parallel_loop3A_406, %parallel_loop3A_407] {strides = array<i32>} : memref<4x100x64xf32, #tpu.memory_space<vmem>>, vector<1x1x16xf32>,
        %parallel_loop3A_409 = vector.shape_cast %parallel_loop3A_408 : vector<1x1x16xf32> to vector<16xf32>
        %parallel_loop3A_410 = arith.addf %parallel_loop3A_391, %parallel_loop3A_385 : vector<16xf32>
        %parallel_loop3A_411 = arith.constant 2.000000e-01 : f32
        %parallel_loop3A_412 = vector.broadcast %parallel_loop3A_411 : f32 to vector<16xf32>
        %parallel_loop3A_413 = arith.mulf %parallel_loop3A_412, %parallel_loop3A_410 : vector<16xf32>
        %parallel_loop3A_414 = arith.maximumf %parallel_loop3A_410, %parallel_loop3A_413 : vector<16xf32>
        %parallel_loop3A_415 = vector.shape_cast %min3A_55 : vector<16xi32> to vector<16x1xi32>
        %parallel_loop3A_416 = vector.shape_cast %parallel_loop3A_415 : vector<16x1xi32> to vector<16xi32>
        %parallel_loop3A_417 = tpu.dynamic_gather %parallel_loop3A_385[%parallel_loop3A_416] in [0] : vector<16xf32>, vector<16xi32> -> vector<16xf32>
        %parallel_loop3A_418 = arith.subf %parallel_loop3A_414, %parallel_loop3A_417 : vector<16xf32>
        %parallel_loop3A_419 = math.exp %parallel_loop3A_418 : vector<16xf32>
        %parallel_loop3A_420 = arith.mulf %parallel_loop3A_419, %convert_element_type3A_68 : vector<16xf32>
        %parallel_loop3A_421 = vector.shape_cast %mul3A_9 : vector<16xi32> to vector<16x1xi32>
        %parallel_loop3A_422 = vector.shape_cast %parallel_loop3A_421 : vector<16x1xi32> to vector<16xi32>
        %parallel_loop3A_423 = tpu.dynamic_gather %parallel_loop3A_419[%parallel_loop3A_422] in [0] : vector<16xf32>, vector<16xi32> -> vector<16xf32>
        %parallel_loop3A_424 = arith.mulf %parallel_loop3A_391, %parallel_loop3A_423 : vector<16xf32>
        %parallel_loop3A_425 = arith.mulf %parallel_loop3A_424, %convert_element_type3A_78 : vector<16xf32>
        %parallel_loop3A_426 = arith.addf %parallel_loop3A_420, %parallel_loop3A_425 : vector<16xf32>
        %parallel_loop3A_427 = arith.constant 1 : i32
        %parallel_loop3A_428 = arith.index_cast %parallel_loop3A_427 : i32 to index
        %parallel_loop3A_429 = arith.index_cast %parallel_loop3A_379 : i32 to index
        %parallel_loop3A_430 = arith.constant 0 : index
        %parallel_loop3A_431 = tpu.vector_load %arg10[%parallel_loop3A_428, %parallel_loop3A_429, %parallel_loop3A_430] {strides = array<i32>} : memref<4x100x64xf32, #tpu.memory_space<vmem>>, vector<1x1x16xf32>,
        %parallel_loop3A_432 = vector.shape_cast %parallel_loop3A_431 : vector<1x1x16xf32> to vector<16xf32>
        %parallel_loop3A_433 = vector.shape_cast %parallel_loop3A_426 : vector<16xf32> to vector<1x1x16xf32>
        tpu.vector_store %arg10[%parallel_loop3A_428, %parallel_loop3A_429, %parallel_loop3A_430], %parallel_loop3A_433 {strides = array<i32>} : memref<4x100x64xf32, #tpu.memory_space<vmem>>, vector<1x1x16xf32>,
        %parallel_loop3A_434 = vector.shape_cast %min3A_15 : vector<16xi32> to vector<16x1xi32>
        %parallel_loop3A_435 = vector.shape_cast %parallel_loop3A_434 : vector<16x1xi32> to vector<16xi32>
        %parallel_loop3A_436 = tpu.dynamic_gather %parallel_loop3A_419[%parallel_loop3A_435] in [0] : vector<16xf32>, vector<16xi32> -> vector<16xf32>
        %parallel_loop3A_437 = arith.mulf %parallel_loop3A_397, %parallel_loop3A_436 : vector<16xf32>
        %parallel_loop3A_438 = arith.constant 1 : i32
        %parallel_loop3A_439 = arith.index_cast %parallel_loop3A_438 : i32 to index
        %parallel_loop3A_440 = arith.index_cast %parallel_loop3A_379 : i32 to index
        %parallel_loop3A_441 = arith.constant 16 : index
        %parallel_loop3A_442 = tpu.vector_load %arg10[%parallel_loop3A_439, %parallel_loop3A_440, %parallel_loop3A_441] {strides = array<i32>} : memref<4x100x64xf32, #tpu.memory_space<vmem>>, vector<1x1x16xf32>,
        %parallel_loop3A_443 = vector.shape_cast %parallel_loop3A_442 : vector<1x1x16xf32> to vector<16xf32>
        %parallel_loop3A_444 = vector.shape_cast %parallel_loop3A_437 : vector<16xf32> to vector<1x1x16xf32>
        tpu.vector_store %arg10[%parallel_loop3A_439, %parallel_loop3A_440, %parallel_loop3A_441], %parallel_loop3A_444 {strides = array<i32>} : memref<4x100x64xf32, #tpu.memory_space<vmem>>, vector<1x1x16xf32>,
        %parallel_loop3A_445 = vector.shape_cast %add3A_37 : vector<16xi32> to vector<16x1xi32>
        %parallel_loop3A_446 = vector.shape_cast %parallel_loop3A_445 : vector<16x1xi32> to vector<16xi32>
        %parallel_loop3A_447 = tpu.dynamic_gather %parallel_loop3A_419[%parallel_loop3A_446] in [0] : vector<16xf32>, vector<16xi32> -> vector<16xf32>
        %parallel_loop3A_448 = arith.mulf %parallel_loop3A_403, %parallel_loop3A_447 : vector<16xf32>
        %parallel_loop3A_449 = arith.constant 1 : i32
        %parallel_loop3A_450 = arith.index_cast %parallel_loop3A_449 : i32 to index
        %parallel_loop3A_451 = arith.index_cast %parallel_loop3A_379 : i32 to index
        %parallel_loop3A_452 = arith.constant 32 : index
        %parallel_loop3A_453 = tpu.vector_load %arg10[%parallel_loop3A_450, %parallel_loop3A_451, %parallel_loop3A_452] {strides = array<i32>} : memref<4x100x64xf32, #tpu.memory_space<vmem>>, vector<1x1x16xf32>,
        %parallel_loop3A_454 = vector.shape_cast %parallel_loop3A_453 : vector<1x1x16xf32> to vector<16xf32>
        %parallel_loop3A_455 = vector.shape_cast %parallel_loop3A_448 : vector<16xf32> to vector<1x1x16xf32>
        tpu.vector_store %arg10[%parallel_loop3A_450, %parallel_loop3A_451, %parallel_loop3A_452], %parallel_loop3A_455 {strides = array<i32>} : memref<4x100x64xf32, #tpu.memory_space<vmem>>, vector<1x1x16xf32>,
        %parallel_loop3A_456 = vector.shape_cast %add3A_49 : vector<16xi32> to vector<16x1xi32>
        %parallel_loop3A_457 = vector.shape_cast %parallel_loop3A_456 : vector<16x1xi32> to vector<16xi32>
        %parallel_loop3A_458 = tpu.dynamic_gather %parallel_loop3A_419[%parallel_loop3A_457] in [0] : vector<16xf32>, vector<16xi32> -> vector<16xf32>
        %parallel_loop3A_459 = arith.mulf %parallel_loop3A_409, %parallel_loop3A_458 : vector<16xf32>
        %parallel_loop3A_460 = arith.constant 1 : i32
        %parallel_loop3A_461 = arith.index_cast %parallel_loop3A_460 : i32 to index
        %parallel_loop3A_462 = arith.index_cast %parallel_loop3A_379 : i32 to index
        %parallel_loop3A_463 = arith.constant 48 : index
        %parallel_loop3A_464 = tpu.vector_load %arg10[%parallel_loop3A_461, %parallel_loop3A_462, %parallel_loop3A_463] {strides = array<i32>} : memref<4x100x64xf32, #tpu.memory_space<vmem>>, vector<1x1x16xf32>,
        %parallel_loop3A_465 = vector.shape_cast %parallel_loop3A_464 : vector<1x1x16xf32> to vector<16xf32>
        %parallel_loop3A_466 = vector.shape_cast %parallel_loop3A_459 : vector<16xf32> to vector<1x1x16xf32>
        tpu.vector_store %arg10[%parallel_loop3A_461, %parallel_loop3A_462, %parallel_loop3A_463], %parallel_loop3A_466 {strides = array<i32>} : memref<4x100x64xf32, #tpu.memory_space<vmem>>, vector<1x1x16xf32>,
      } {sc.loop_unroll_factor = 4 : i64, sc.parallel_access}
      %dma_start3A_240 = arith.constant 1 : i32
      %dma_start3A_241 = arith.constant 0 : i32
      %dma_start3A_242 = arith.constant 0 : i32
      %dma_start3A_243 = tpu.memref_slice %arg10[%dma_start3A_240, %dma_start3A_241, %dma_start3A_242] : memref<4x100x64xf32, #tpu.memory_space<vmem>> -> memref<1x100x64xf32, #tpu.memory_space<vmem>>
      %dma_start3A_244 = tpu.memref_squeeze %dma_start3A_243 : memref<1x100x64xf32, #tpu.memory_space<vmem>> -> memref<100x64xf32, #tpu.memory_space<vmem>>
      %dma_start3A_245 = arith.constant 0 : i32
      %dma_start3A_246 = tpu.memref_slice %arg9[%add3A_214, %dma_start3A_245] : memref<100x100xi32, #tpu.memory_space<vmem>> -> memref<1x100xi32, #tpu.memory_space<vmem>>
      %dma_start3A_247 = tpu.memref_squeeze %dma_start3A_246 : memref<1x100xi32, #tpu.memory_space<vmem>> -> memref<100xi32, #tpu.memory_space<vmem>>
      %dma_start3A_248 = arith.constant 0 : i32
      %dma_start3A_249 = arith.constant 0 : i32
      %dma_start3A_250 = tpu.memref_slice %arg12[%dma_start3A_248, %dma_start3A_249] : memref<10000x64xf32, #tpu.memory_space<vmem_shared>> -> memref<10000x64xf32, #tpu.memory_space<vmem_shared>>
      tpu.enqueue_indirect_dma source(%dma_start3A_244 : memref<100x64xf32, #tpu.memory_space<vmem>>) target(%dma_start3A_250 : memref<10000x64xf32, #tpu.memory_space<vmem_shared>>) offsets(%dma_start3A_247 : memref<100xi32, #tpu.memory_space<vmem>>) semaphore(%arg18 : memref<!tpu.dma_semaphore, #tpu.memory_space<semaphore_mem>>) {add = true}
      %ge3A_251 = arith.constant 2 : i32
      %ge3A_252 = arith.cmpi sge, %add3A_214, %ge3A_251 : i32
      %convert_element_type3A_253 = arith.extui %ge3A_252 : i1 to i32
      %cond3A_254 = arith.constant 0 : i32
      %cond3A_255 = arith.cmpi ne, %convert_element_type3A_253, %cond3A_254 : i32
      scf.if %cond3A_255 {
        %dma_wait3A_379 = arith.constant 3 : i32
        %dma_wait3A_380 = arith.constant 0 : i32
        %dma_wait3A_381 = arith.constant 0 : i32
        %dma_wait3A_382 = tpu.memref_slice %arg10[%dma_wait3A_379, %dma_wait3A_380, %dma_wait3A_381] : memref<4x100x64xf32, #tpu.memory_space<vmem>> -> memref<1x100x64xf32, #tpu.memory_space<vmem>>
        %dma_wait3A_383 = tpu.memref_squeeze %dma_wait3A_382 : memref<1x100x64xf32, #tpu.memory_space<vmem>> -> memref<100x64xf32, #tpu.memory_space<vmem>>
        %dma_wait3A_384 = arith.constant 0 : i32
        %dma_wait3A_385 = tpu.memref_slice %arg9[%add3A_214, %dma_wait3A_384] : memref<100x100xi32, #tpu.memory_space<vmem>> -> memref<1x100xi32, #tpu.memory_space<vmem>>
        %dma_wait3A_386 = tpu.memref_squeeze %dma_wait3A_385 : memref<1x100xi32, #tpu.memory_space<vmem>> -> memref<100xi32, #tpu.memory_space<vmem>>
        %dma_wait3A_387 = arith.constant 0 : i32
        %dma_wait3A_388 = arith.constant 0 : i32
        %dma_wait3A_389 = tpu.memref_slice %arg12[%dma_wait3A_387, %dma_wait3A_388] : memref<10000x64xf32, #tpu.memory_space<vmem_shared>> -> memref<10000x64xf32, #tpu.memory_space<vmem_shared>>
        tpu.wait_indirect_dma semaphore(%arg20 : memref<!tpu.dma_semaphore, #tpu.memory_space<semaphore_mem>>) src(%dma_wait3A_383 : memref<100x64xf32, #tpu.memory_space<vmem>>) dst(%dma_wait3A_389 : memref<10000x64xf32, #tpu.memory_space<vmem_shared>>)
      } else {
      }
      %add3A_256 = arith.constant 2 : i32
      %add3A_257 = arith.addi %add3A_214, %add3A_256 : i32
      %lt3A_258 = arith.constant 100 : i32
      %lt3A_259 = arith.cmpi slt, %add3A_257, %lt3A_258 : i32
      %convert_element_type3A_260 = arith.extui %lt3A_259 : i1 to i32
      %cond3A_261 = arith.constant 0 : i32
      %cond3A_262 = arith.cmpi ne, %convert_element_type3A_260, %cond3A_261 : i32
      scf.if %cond3A_262 {
        %add3A_379 = arith.constant 2 : i32
        %add3A_380 = arith.addi %add3A_214, %add3A_379 : i32
        %dma_start3A_381 = arith.constant 3 : i32
        %dma_start3A_382 = arith.constant 0 : i32
        %dma_start3A_383 = arith.constant 0 : i32
        %dma_start3A_384 = tpu.memref_slice %arg10[%dma_start3A_381, %dma_start3A_382, %dma_start3A_383] : memref<4x100x64xf32, #tpu.memory_space<vmem>> -> memref<1x100x64xf32, #tpu.memory_space<vmem>>
        %dma_start3A_385 = tpu.memref_squeeze %dma_start3A_384 : memref<1x100x64xf32, #tpu.memory_space<vmem>> -> memref<100x64xf32, #tpu.memory_space<vmem>>
        %dma_start3A_386 = arith.constant 0 : i32
        %dma_start3A_387 = tpu.memref_slice %arg8[%add3A_380, %dma_start3A_386] : memref<100x100xi32, #tpu.memory_space<vmem>> -> memref<1x100xi32, #tpu.memory_space<vmem>>
        %dma_start3A_388 = tpu.memref_squeeze %dma_start3A_387 : memref<1x100xi32, #tpu.memory_space<vmem>> -> memref<100xi32, #tpu.memory_space<vmem>>
        %dma_start3A_389 = arith.constant 0 : i32
        %dma_start3A_390 = arith.constant 0 : i32
        %dma_start3A_391 = tpu.memref_slice %arg2[%dma_start3A_389, %dma_start3A_390] : memref<10000x64xf32, #tpu.memory_space<hbm>> -> memref<10000x64xf32, #tpu.memory_space<hbm>>
        tpu.enqueue_indirect_dma source(%dma_start3A_391 : memref<10000x64xf32, #tpu.memory_space<hbm>>) target(%dma_start3A_385 : memref<100x64xf32, #tpu.memory_space<vmem>>) offsets(%dma_start3A_388 : memref<100xi32, #tpu.memory_space<vmem>>) semaphore(%arg16 : memref<!tpu.dma_semaphore, #tpu.memory_space<semaphore_mem>>)
        %dma_start3A_392 = arith.constant 3 : i32
        %dma_start3A_393 = arith.constant 0 : i32
        %dma_start3A_394 = arith.constant 0 : i32
        %dma_start3A_395 = tpu.memref_slice %arg11[%dma_start3A_392, %dma_start3A_393, %dma_start3A_394] : memref<4x100x16xf32, #tpu.memory_space<vmem>> -> memref<1x100x16xf32, #tpu.memory_space<vmem>>
        %dma_start3A_396 = tpu.memref_squeeze %dma_start3A_395 : memref<1x100x16xf32, #tpu.memory_space<vmem>> -> memref<100x16xf32, #tpu.memory_space<vmem>>
        %dma_start3A_397 = arith.constant 0 : i32
        %dma_start3A_398 = tpu.memref_slice %arg9[%add3A_380, %dma_start3A_397] : memref<100x100xi32, #tpu.memory_space<vmem>> -> memref<1x100xi32, #tpu.memory_space<vmem>>
        %dma_start3A_399 = tpu.memref_squeeze %dma_start3A_398 : memref<1x100xi32, #tpu.memory_space<vmem>> -> memref<100xi32, #tpu.memory_space<vmem>>
        %dma_start3A_400 = arith.constant 0 : i32
        %dma_start3A_401 = arith.constant 0 : i32
        %dma_start3A_402 = tpu.memref_slice %arg3[%dma_start3A_400, %dma_start3A_401] : memref<10000x16xf32, #tpu.memory_space<hbm>> -> memref<10000x16xf32, #tpu.memory_space<hbm>>
        tpu.enqueue_indirect_dma source(%dma_start3A_402 : memref<10000x16xf32, #tpu.memory_space<hbm>>) target(%dma_start3A_396 : memref<100x16xf32, #tpu.memory_space<vmem>>) offsets(%dma_start3A_399 : memref<100xi32, #tpu.memory_space<vmem>>) semaphore(%arg16 : memref<!tpu.dma_semaphore, #tpu.memory_space<semaphore_mem>>)
      } else {
      }
      %mul3A_263 = arith.constant 4 : i32
      %mul3A_264 = arith.muli %mul3A_263, %scan3A_160 : i32
      %add3A_265 = arith.constant 2 : i32
      %add3A_266 = arith.addi %mul3A_264, %add3A_265 : i32
      %dma_wait3A_267 = arith.constant 2 : i32
      %dma_wait3A_268 = arith.constant 0 : i32
      %dma_wait3A_269 = arith.constant 0 : i32
      %dma_wait3A_270 = tpu.memref_slice %arg10[%dma_wait3A_267, %dma_wait3A_268, %dma_wait3A_269] : memref<4x100x64xf32, #tpu.memory_space<vmem>> -> memref<1x100x64xf32, #tpu.memory_space<vmem>>
      %dma_wait3A_271 = tpu.memref_squeeze %dma_wait3A_270 : memref<1x100x64xf32, #tpu.memory_space<vmem>> -> memref<100x64xf32, #tpu.memory_space<vmem>>
      %dma_wait3A_272 = arith.constant 0 : i32
      %dma_wait3A_273 = tpu.memref_slice %arg8[%add3A_266, %dma_wait3A_272] : memref<100x100xi32, #tpu.memory_space<vmem>> -> memref<1x100xi32, #tpu.memory_space<vmem>>
      %dma_wait3A_274 = tpu.memref_squeeze %dma_wait3A_273 : memref<1x100xi32, #tpu.memory_space<vmem>> -> memref<100xi32, #tpu.memory_space<vmem>>
      %dma_wait3A_275 = arith.constant 0 : i32
      %dma_wait3A_276 = arith.constant 0 : i32
      %dma_wait3A_277 = tpu.memref_slice %arg2[%dma_wait3A_275, %dma_wait3A_276] : memref<10000x64xf32, #tpu.memory_space<hbm>> -> memref<10000x64xf32, #tpu.memory_space<hbm>>
      tpu.wait_indirect_dma semaphore(%arg15 : memref<!tpu.dma_semaphore, #tpu.memory_space<semaphore_mem>>) src(%dma_wait3A_277 : memref<10000x64xf32, #tpu.memory_space<hbm>>) dst(%dma_wait3A_271 : memref<100x64xf32, #tpu.memory_space<vmem>>)
      %dma_wait3A_278 = arith.constant 2 : i32
      %dma_wait3A_279 = arith.constant 0 : i32
      %dma_wait3A_280 = arith.constant 0 : i32
      %dma_wait3A_281 = tpu.memref_slice %arg11[%dma_wait3A_278, %dma_wait3A_279, %dma_wait3A_280] : memref<4x100x16xf32, #tpu.memory_space<vmem>> -> memref<1x100x16xf32, #tpu.memory_space<vmem>>
      %dma_wait3A_282 = tpu.memref_squeeze %dma_wait3A_281 : memref<1x100x16xf32, #tpu.memory_space<vmem>> -> memref<100x16xf32, #tpu.memory_space<vmem>>
      %dma_wait3A_283 = arith.constant 0 : i32
      %dma_wait3A_284 = tpu.memref_slice %arg9[%add3A_266, %dma_wait3A_283] : memref<100x100xi32, #tpu.memory_space<vmem>> -> memref<1x100xi32, #tpu.memory_space<vmem>>
      %dma_wait3A_285 = tpu.memref_squeeze %dma_wait3A_284 : memref<1x100xi32, #tpu.memory_space<vmem>> -> memref<100xi32, #tpu.memory_space<vmem>>
      %dma_wait3A_286 = arith.constant 0 : i32
      %dma_wait3A_287 = arith.constant 0 : i32
      %dma_wait3A_288 = tpu.memref_slice %arg3[%dma_wait3A_286, %dma_wait3A_287] : memref<10000x16xf32, #tpu.memory_space<hbm>> -> memref<10000x16xf32, #tpu.memory_space<hbm>>
      tpu.wait_indirect_dma semaphore(%arg15 : memref<!tpu.dma_semaphore, #tpu.memory_space<semaphore_mem>>) src(%dma_wait3A_288 : memref<10000x16xf32, #tpu.memory_space<hbm>>) dst(%dma_wait3A_282 : memref<100x16xf32, #tpu.memory_space<vmem>>)
      %parallel_loop3A_289 = arith.constant 0 : i32
      %parallel_loop3A_290 = arith.constant 100 : i32
      %parallel_loop3A_291 = arith.constant 1 : i32
      scf.for %parallel_loop3A_379 = %parallel_loop3A_289 to %parallel_loop3A_290 step %parallel_loop3A_291  : i32 {
        %parallel_loop3A_380 = arith.constant 2 : i32
        %parallel_loop3A_381 = arith.index_cast %parallel_loop3A_380 : i32 to index
        %parallel_loop3A_382 = arith.index_cast %parallel_loop3A_379 : i32 to index
        %parallel_loop3A_383 = arith.constant 0 : index
        %parallel_loop3A_384 = tpu.vector_load %arg11[%parallel_loop3A_381, %parallel_loop3A_382, %parallel_loop3A_383] {strides = array<i32>} : memref<4x100x16xf32, #tpu.memory_space<vmem>>, vector<1x1x16xf32>,
        %parallel_loop3A_385 = vector.shape_cast %parallel_loop3A_384 : vector<1x1x16xf32> to vector<16xf32>
        %parallel_loop3A_386 = arith.constant 2 : i32
        %parallel_loop3A_387 = arith.index_cast %parallel_loop3A_386 : i32 to index
        %parallel_loop3A_388 = arith.index_cast %parallel_loop3A_379 : i32 to index
        %parallel_loop3A_389 = arith.constant 0 : index
        %parallel_loop3A_390 = tpu.vector_load %arg10[%parallel_loop3A_387, %parallel_loop3A_388, %parallel_loop3A_389] {strides = array<i32>} : memref<4x100x64xf32, #tpu.memory_space<vmem>>, vector<1x1x16xf32>,
        %parallel_loop3A_391 = vector.shape_cast %parallel_loop3A_390 : vector<1x1x16xf32> to vector<16xf32>
        %parallel_loop3A_392 = arith.constant 2 : i32
        %parallel_loop3A_393 = arith.index_cast %parallel_loop3A_392 : i32 to index
        %parallel_loop3A_394 = arith.index_cast %parallel_loop3A_379 : i32 to index
        %parallel_loop3A_395 = arith.constant 16 : index
        %parallel_loop3A_396 = tpu.vector_load %arg10[%parallel_loop3A_393, %parallel_loop3A_394, %parallel_loop3A_395] {strides = array<i32>} : memref<4x100x64xf32, #tpu.memory_space<vmem>>, vector<1x1x16xf32>,
        %parallel_loop3A_397 = vector.shape_cast %parallel_loop3A_396 : vector<1x1x16xf32> to vector<16xf32>
        %parallel_loop3A_398 = arith.constant 2 : i32
        %parallel_loop3A_399 = arith.index_cast %parallel_loop3A_398 : i32 to index
        %parallel_loop3A_400 = arith.index_cast %parallel_loop3A_379 : i32 to index
        %parallel_loop3A_401 = arith.constant 32 : index
        %parallel_loop3A_402 = tpu.vector_load %arg10[%parallel_loop3A_399, %parallel_loop3A_400, %parallel_loop3A_401] {strides = array<i32>} : memref<4x100x64xf32, #tpu.memory_space<vmem>>, vector<1x1x16xf32>,
        %parallel_loop3A_403 = vector.shape_cast %parallel_loop3A_402 : vector<1x1x16xf32> to vector<16xf32>
        %parallel_loop3A_404 = arith.constant 2 : i32
        %parallel_loop3A_405 = arith.index_cast %parallel_loop3A_404 : i32 to index
        %parallel_loop3A_406 = arith.index_cast %parallel_loop3A_379 : i32 to index
        %parallel_loop3A_407 = arith.constant 48 : index
        %parallel_loop3A_408 = tpu.vector_load %arg10[%parallel_loop3A_405, %parallel_loop3A_406, %parallel_loop3A_407] {strides = array<i32>} : memref<4x100x64xf32, #tpu.memory_space<vmem>>, vector<1x1x16xf32>,
        %parallel_loop3A_409 = vector.shape_cast %parallel_loop3A_408 : vector<1x1x16xf32> to vector<16xf32>
        %parallel_loop3A_410 = arith.addf %parallel_loop3A_391, %parallel_loop3A_385 : vector<16xf32>
        %parallel_loop3A_411 = arith.constant 2.000000e-01 : f32
        %parallel_loop3A_412 = vector.broadcast %parallel_loop3A_411 : f32 to vector<16xf32>
        %parallel_loop3A_413 = arith.mulf %parallel_loop3A_412, %parallel_loop3A_410 : vector<16xf32>
        %parallel_loop3A_414 = arith.maximumf %parallel_loop3A_410, %parallel_loop3A_413 : vector<16xf32>
        %parallel_loop3A_415 = vector.shape_cast %min3A_55 : vector<16xi32> to vector<16x1xi32>
        %parallel_loop3A_416 = vector.shape_cast %parallel_loop3A_415 : vector<16x1xi32> to vector<16xi32>
        %parallel_loop3A_417 = tpu.dynamic_gather %parallel_loop3A_385[%parallel_loop3A_416] in [0] : vector<16xf32>, vector<16xi32> -> vector<16xf32>
        %parallel_loop3A_418 = arith.subf %parallel_loop3A_414, %parallel_loop3A_417 : vector<16xf32>
        %parallel_loop3A_419 = math.exp %parallel_loop3A_418 : vector<16xf32>
        %parallel_loop3A_420 = arith.mulf %parallel_loop3A_419, %convert_element_type3A_68 : vector<16xf32>
        %parallel_loop3A_421 = vector.shape_cast %mul3A_9 : vector<16xi32> to vector<16x1xi32>
        %parallel_loop3A_422 = vector.shape_cast %parallel_loop3A_421 : vector<16x1xi32> to vector<16xi32>
        %parallel_loop3A_423 = tpu.dynamic_gather %parallel_loop3A_419[%parallel_loop3A_422] in [0] : vector<16xf32>, vector<16xi32> -> vector<16xf32>
        %parallel_loop3A_424 = arith.mulf %parallel_loop3A_391, %parallel_loop3A_423 : vector<16xf32>
        %parallel_loop3A_425 = arith.mulf %parallel_loop3A_424, %convert_element_type3A_78 : vector<16xf32>
        %parallel_loop3A_426 = arith.addf %parallel_loop3A_420, %parallel_loop3A_425 : vector<16xf32>
        %parallel_loop3A_427 = arith.constant 2 : i32
        %parallel_loop3A_428 = arith.index_cast %parallel_loop3A_427 : i32 to index
        %parallel_loop3A_429 = arith.index_cast %parallel_loop3A_379 : i32 to index
        %parallel_loop3A_430 = arith.constant 0 : index
        %parallel_loop3A_431 = tpu.vector_load %arg10[%parallel_loop3A_428, %parallel_loop3A_429, %parallel_loop3A_430] {strides = array<i32>} : memref<4x100x64xf32, #tpu.memory_space<vmem>>, vector<1x1x16xf32>,
        %parallel_loop3A_432 = vector.shape_cast %parallel_loop3A_431 : vector<1x1x16xf32> to vector<16xf32>
        %parallel_loop3A_433 = vector.shape_cast %parallel_loop3A_426 : vector<16xf32> to vector<1x1x16xf32>
        tpu.vector_store %arg10[%parallel_loop3A_428, %parallel_loop3A_429, %parallel_loop3A_430], %parallel_loop3A_433 {strides = array<i32>} : memref<4x100x64xf32, #tpu.memory_space<vmem>>, vector<1x1x16xf32>,
        %parallel_loop3A_434 = vector.shape_cast %min3A_15 : vector<16xi32> to vector<16x1xi32>
        %parallel_loop3A_435 = vector.shape_cast %parallel_loop3A_434 : vector<16x1xi32> to vector<16xi32>
        %parallel_loop3A_436 = tpu.dynamic_gather %parallel_loop3A_419[%parallel_loop3A_435] in [0] : vector<16xf32>, vector<16xi32> -> vector<16xf32>
        %parallel_loop3A_437 = arith.mulf %parallel_loop3A_397, %parallel_loop3A_436 : vector<16xf32>
        %parallel_loop3A_438 = arith.constant 2 : i32
        %parallel_loop3A_439 = arith.index_cast %parallel_loop3A_438 : i32 to index
        %parallel_loop3A_440 = arith.index_cast %parallel_loop3A_379 : i32 to index
        %parallel_loop3A_441 = arith.constant 16 : index
        %parallel_loop3A_442 = tpu.vector_load %arg10[%parallel_loop3A_439, %parallel_loop3A_440, %parallel_loop3A_441] {strides = array<i32>} : memref<4x100x64xf32, #tpu.memory_space<vmem>>, vector<1x1x16xf32>,
        %parallel_loop3A_443 = vector.shape_cast %parallel_loop3A_442 : vector<1x1x16xf32> to vector<16xf32>
        %parallel_loop3A_444 = vector.shape_cast %parallel_loop3A_437 : vector<16xf32> to vector<1x1x16xf32>
        tpu.vector_store %arg10[%parallel_loop3A_439, %parallel_loop3A_440, %parallel_loop3A_441], %parallel_loop3A_444 {strides = array<i32>} : memref<4x100x64xf32, #tpu.memory_space<vmem>>, vector<1x1x16xf32>,
        %parallel_loop3A_445 = vector.shape_cast %add3A_37 : vector<16xi32> to vector<16x1xi32>
        %parallel_loop3A_446 = vector.shape_cast %parallel_loop3A_445 : vector<16x1xi32> to vector<16xi32>
        %parallel_loop3A_447 = tpu.dynamic_gather %parallel_loop3A_419[%parallel_loop3A_446] in [0] : vector<16xf32>, vector<16xi32> -> vector<16xf32>
        %parallel_loop3A_448 = arith.mulf %parallel_loop3A_403, %parallel_loop3A_447 : vector<16xf32>
        %parallel_loop3A_449 = arith.constant 2 : i32
        %parallel_loop3A_450 = arith.index_cast %parallel_loop3A_449 : i32 to index
        %parallel_loop3A_451 = arith.index_cast %parallel_loop3A_379 : i32 to index
        %parallel_loop3A_452 = arith.constant 32 : index
        %parallel_loop3A_453 = tpu.vector_load %arg10[%parallel_loop3A_450, %parallel_loop3A_451, %parallel_loop3A_452] {strides = array<i32>} : memref<4x100x64xf32, #tpu.memory_space<vmem>>, vector<1x1x16xf32>,
        %parallel_loop3A_454 = vector.shape_cast %parallel_loop3A_453 : vector<1x1x16xf32> to vector<16xf32>
        %parallel_loop3A_455 = vector.shape_cast %parallel_loop3A_448 : vector<16xf32> to vector<1x1x16xf32>
        tpu.vector_store %arg10[%parallel_loop3A_450, %parallel_loop3A_451, %parallel_loop3A_452], %parallel_loop3A_455 {strides = array<i32>} : memref<4x100x64xf32, #tpu.memory_space<vmem>>, vector<1x1x16xf32>,
        %parallel_loop3A_456 = vector.shape_cast %add3A_49 : vector<16xi32> to vector<16x1xi32>
        %parallel_loop3A_457 = vector.shape_cast %parallel_loop3A_456 : vector<16x1xi32> to vector<16xi32>
        %parallel_loop3A_458 = tpu.dynamic_gather %parallel_loop3A_419[%parallel_loop3A_457] in [0] : vector<16xf32>, vector<16xi32> -> vector<16xf32>
        %parallel_loop3A_459 = arith.mulf %parallel_loop3A_409, %parallel_loop3A_458 : vector<16xf32>
        %parallel_loop3A_460 = arith.constant 2 : i32
        %parallel_loop3A_461 = arith.index_cast %parallel_loop3A_460 : i32 to index
        %parallel_loop3A_462 = arith.index_cast %parallel_loop3A_379 : i32 to index
        %parallel_loop3A_463 = arith.constant 48 : index
        %parallel_loop3A_464 = tpu.vector_load %arg10[%parallel_loop3A_461, %parallel_loop3A_462, %parallel_loop3A_463] {strides = array<i32>} : memref<4x100x64xf32, #tpu.memory_space<vmem>>, vector<1x1x16xf32>,
        %parallel_loop3A_465 = vector.shape_cast %parallel_loop3A_464 : vector<1x1x16xf32> to vector<16xf32>
        %parallel_loop3A_466 = vector.shape_cast %parallel_loop3A_459 : vector<16xf32> to vector<1x1x16xf32>
        tpu.vector_store %arg10[%parallel_loop3A_461, %parallel_loop3A_462, %parallel_loop3A_463], %parallel_loop3A_466 {strides = array<i32>} : memref<4x100x64xf32, #tpu.memory_space<vmem>>, vector<1x1x16xf32>,
      } {sc.loop_unroll_factor = 4 : i64, sc.parallel_access}
      %dma_start3A_292 = arith.constant 2 : i32
      %dma_start3A_293 = arith.constant 0 : i32
      %dma_start3A_294 = arith.constant 0 : i32
      %dma_start3A_295 = tpu.memref_slice %arg10[%dma_start3A_292, %dma_start3A_293, %dma_start3A_294] : memref<4x100x64xf32, #tpu.memory_space<vmem>> -> memref<1x100x64xf32, #tpu.memory_space<vmem>>
      %dma_start3A_296 = tpu.memref_squeeze %dma_start3A_295 : memref<1x100x64xf32, #tpu.memory_space<vmem>> -> memref<100x64xf32, #tpu.memory_space<vmem>>
      %dma_start3A_297 = arith.constant 0 : i32
      %dma_start3A_298 = tpu.memref_slice %arg9[%add3A_266, %dma_start3A_297] : memref<100x100xi32, #tpu.memory_space<vmem>> -> memref<1x100xi32, #tpu.memory_space<vmem>>
      %dma_start3A_299 = tpu.memref_squeeze %dma_start3A_298 : memref<1x100xi32, #tpu.memory_space<vmem>> -> memref<100xi32, #tpu.memory_space<vmem>>
      %dma_start3A_300 = arith.constant 0 : i32
      %dma_start3A_301 = arith.constant 0 : i32
      %dma_start3A_302 = tpu.memref_slice %arg12[%dma_start3A_300, %dma_start3A_301] : memref<10000x64xf32, #tpu.memory_space<vmem_shared>> -> memref<10000x64xf32, #tpu.memory_space<vmem_shared>>
      tpu.enqueue_indirect_dma source(%dma_start3A_296 : memref<100x64xf32, #tpu.memory_space<vmem>>) target(%dma_start3A_302 : memref<10000x64xf32, #tpu.memory_space<vmem_shared>>) offsets(%dma_start3A_299 : memref<100xi32, #tpu.memory_space<vmem>>) semaphore(%arg19 : memref<!tpu.dma_semaphore, #tpu.memory_space<semaphore_mem>>) {add = true}
      %dma_wait3A_303 = arith.constant 0 : i32
      %dma_wait3A_304 = arith.constant 0 : i32
      %dma_wait3A_305 = arith.constant 0 : i32
      %dma_wait3A_306 = tpu.memref_slice %arg10[%dma_wait3A_303, %dma_wait3A_304, %dma_wait3A_305] : memref<4x100x64xf32, #tpu.memory_space<vmem>> -> memref<1x100x64xf32, #tpu.memory_space<vmem>>
      %dma_wait3A_307 = tpu.memref_squeeze %dma_wait3A_306 : memref<1x100x64xf32, #tpu.memory_space<vmem>> -> memref<100x64xf32, #tpu.memory_space<vmem>>
      %dma_wait3A_308 = arith.constant 0 : i32
      %dma_wait3A_309 = tpu.memref_slice %arg9[%add3A_266, %dma_wait3A_308] : memref<100x100xi32, #tpu.memory_space<vmem>> -> memref<1x100xi32, #tpu.memory_space<vmem>>
      %dma_wait3A_310 = tpu.memref_squeeze %dma_wait3A_309 : memref<1x100xi32, #tpu.memory_space<vmem>> -> memref<100xi32, #tpu.memory_space<vmem>>
      %dma_wait3A_311 = arith.constant 0 : i32
      %dma_wait3A_312 = arith.constant 0 : i32
      %dma_wait3A_313 = tpu.memref_slice %arg12[%dma_wait3A_311, %dma_wait3A_312] : memref<10000x64xf32, #tpu.memory_space<vmem_shared>> -> memref<10000x64xf32, #tpu.memory_space<vmem_shared>>
      tpu.wait_indirect_dma semaphore(%arg17 : memref<!tpu.dma_semaphore, #tpu.memory_space<semaphore_mem>>) src(%dma_wait3A_307 : memref<100x64xf32, #tpu.memory_space<vmem>>) dst(%dma_wait3A_313 : memref<10000x64xf32, #tpu.memory_space<vmem_shared>>)
      %add3A_314 = arith.constant 2 : i32
      %add3A_315 = arith.addi %add3A_266, %add3A_314 : i32
      %lt3A_316 = arith.constant 100 : i32
      %lt3A_317 = arith.cmpi slt, %add3A_315, %lt3A_316 : i32
      %convert_element_type3A_318 = arith.extui %lt3A_317 : i1 to i32
      %cond3A_319 = arith.constant 0 : i32
      %cond3A_320 = arith.cmpi ne, %convert_element_type3A_318, %cond3A_319 : i32
      scf.if %cond3A_320 {
        %add3A_379 = arith.constant 2 : i32
        %add3A_380 = arith.addi %add3A_266, %add3A_379 : i32
        %dma_start3A_381 = arith.constant 0 : i32
        %dma_start3A_382 = arith.constant 0 : i32
        %dma_start3A_383 = arith.constant 0 : i32
        %dma_start3A_384 = tpu.memref_slice %arg10[%dma_start3A_381, %dma_start3A_382, %dma_start3A_383] : memref<4x100x64xf32, #tpu.memory_space<vmem>> -> memref<1x100x64xf32, #tpu.memory_space<vmem>>
        %dma_start3A_385 = tpu.memref_squeeze %dma_start3A_384 : memref<1x100x64xf32, #tpu.memory_space<vmem>> -> memref<100x64xf32, #tpu.memory_space<vmem>>
        %dma_start3A_386 = arith.constant 0 : i32
        %dma_start3A_387 = tpu.memref_slice %arg8[%add3A_380, %dma_start3A_386] : memref<100x100xi32, #tpu.memory_space<vmem>> -> memref<1x100xi32, #tpu.memory_space<vmem>>
        %dma_start3A_388 = tpu.memref_squeeze %dma_start3A_387 : memref<1x100xi32, #tpu.memory_space<vmem>> -> memref<100xi32, #tpu.memory_space<vmem>>
        %dma_start3A_389 = arith.constant 0 : i32
        %dma_start3A_390 = arith.constant 0 : i32
        %dma_start3A_391 = tpu.memref_slice %arg2[%dma_start3A_389, %dma_start3A_390] : memref<10000x64xf32, #tpu.memory_space<hbm>> -> memref<10000x64xf32, #tpu.memory_space<hbm>>
        tpu.enqueue_indirect_dma source(%dma_start3A_391 : memref<10000x64xf32, #tpu.memory_space<hbm>>) target(%dma_start3A_385 : memref<100x64xf32, #tpu.memory_space<vmem>>) offsets(%dma_start3A_388 : memref<100xi32, #tpu.memory_space<vmem>>) semaphore(%arg13 : memref<!tpu.dma_semaphore, #tpu.memory_space<semaphore_mem>>)
        %dma_start3A_392 = arith.constant 0 : i32
        %dma_start3A_393 = arith.constant 0 : i32
        %dma_start3A_394 = arith.constant 0 : i32
        %dma_start3A_395 = tpu.memref_slice %arg11[%dma_start3A_392, %dma_start3A_393, %dma_start3A_394] : memref<4x100x16xf32, #tpu.memory_space<vmem>> -> memref<1x100x16xf32, #tpu.memory_space<vmem>>
        %dma_start3A_396 = tpu.memref_squeeze %dma_start3A_395 : memref<1x100x16xf32, #tpu.memory_space<vmem>> -> memref<100x16xf32, #tpu.memory_space<vmem>>
        %dma_start3A_397 = arith.constant 0 : i32
        %dma_start3A_398 = tpu.memref_slice %arg9[%add3A_380, %dma_start3A_397] : memref<100x100xi32, #tpu.memory_space<vmem>> -> memref<1x100xi32, #tpu.memory_space<vmem>>
        %dma_start3A_399 = tpu.memref_squeeze %dma_start3A_398 : memref<1x100xi32, #tpu.memory_space<vmem>> -> memref<100xi32, #tpu.memory_space<vmem>>
        %dma_start3A_400 = arith.constant 0 : i32
        %dma_start3A_401 = arith.constant 0 : i32
        %dma_start3A_402 = tpu.memref_slice %arg3[%dma_start3A_400, %dma_start3A_401] : memref<10000x16xf32, #tpu.memory_space<hbm>> -> memref<10000x16xf32, #tpu.memory_space<hbm>>
        tpu.enqueue_indirect_dma source(%dma_start3A_402 : memref<10000x16xf32, #tpu.memory_space<hbm>>) target(%dma_start3A_396 : memref<100x16xf32, #tpu.memory_space<vmem>>) offsets(%dma_start3A_399 : memref<100xi32, #tpu.memory_space<vmem>>) semaphore(%arg13 : memref<!tpu.dma_semaphore, #tpu.memory_space<semaphore_mem>>)
      } else {
      }
      %mul3A_321 = arith.constant 4 : i32
      %mul3A_322 = arith.muli %mul3A_321, %scan3A_160 : i32
      %add3A_323 = arith.constant 3 : i32
      %add3A_324 = arith.addi %mul3A_322, %add3A_323 : i32
      %dma_wait3A_325 = arith.constant 3 : i32
      %dma_wait3A_326 = arith.constant 0 : i32
      %dma_wait3A_327 = arith.constant 0 : i32
      %dma_wait3A_328 = tpu.memref_slice %arg10[%dma_wait3A_325, %dma_wait3A_326, %dma_wait3A_327] : memref<4x100x64xf32, #tpu.memory_space<vmem>> -> memref<1x100x64xf32, #tpu.memory_space<vmem>>
      %dma_wait3A_329 = tpu.memref_squeeze %dma_wait3A_328 : memref<1x100x64xf32, #tpu.memory_space<vmem>> -> memref<100x64xf32, #tpu.memory_space<vmem>>
      %dma_wait3A_330 = arith.constant 0 : i32
      %dma_wait3A_331 = tpu.memref_slice %arg8[%add3A_324, %dma_wait3A_330] : memref<100x100xi32, #tpu.memory_space<vmem>> -> memref<1x100xi32, #tpu.memory_space<vmem>>
      %dma_wait3A_332 = tpu.memref_squeeze %dma_wait3A_331 : memref<1x100xi32, #tpu.memory_space<vmem>> -> memref<100xi32, #tpu.memory_space<vmem>>
      %dma_wait3A_333 = arith.constant 0 : i32
      %dma_wait3A_334 = arith.constant 0 : i32
      %dma_wait3A_335 = tpu.memref_slice %arg2[%dma_wait3A_333, %dma_wait3A_334] : memref<10000x64xf32, #tpu.memory_space<hbm>> -> memref<10000x64xf32, #tpu.memory_space<hbm>>
      tpu.wait_indirect_dma semaphore(%arg16 : memref<!tpu.dma_semaphore, #tpu.memory_space<semaphore_mem>>) src(%dma_wait3A_335 : memref<10000x64xf32, #tpu.memory_space<hbm>>) dst(%dma_wait3A_329 : memref<100x64xf32, #tpu.memory_space<vmem>>)
      %dma_wait3A_336 = arith.constant 3 : i32
      %dma_wait3A_337 = arith.constant 0 : i32
      %dma_wait3A_338 = arith.constant 0 : i32
      %dma_wait3A_339 = tpu.memref_slice %arg11[%dma_wait3A_336, %dma_wait3A_337, %dma_wait3A_338] : memref<4x100x16xf32, #tpu.memory_space<vmem>> -> memref<1x100x16xf32, #tpu.memory_space<vmem>>
      %dma_wait3A_340 = tpu.memref_squeeze %dma_wait3A_339 : memref<1x100x16xf32, #tpu.memory_space<vmem>> -> memref<100x16xf32, #tpu.memory_space<vmem>>
      %dma_wait3A_341 = arith.constant 0 : i32
      %dma_wait3A_342 = tpu.memref_slice %arg9[%add3A_324, %dma_wait3A_341] : memref<100x100xi32, #tpu.memory_space<vmem>> -> memref<1x100xi32, #tpu.memory_space<vmem>>
      %dma_wait3A_343 = tpu.memref_squeeze %dma_wait3A_342 : memref<1x100xi32, #tpu.memory_space<vmem>> -> memref<100xi32, #tpu.memory_space<vmem>>
      %dma_wait3A_344 = arith.constant 0 : i32
      %dma_wait3A_345 = arith.constant 0 : i32
      %dma_wait3A_346 = tpu.memref_slice %arg3[%dma_wait3A_344, %dma_wait3A_345] : memref<10000x16xf32, #tpu.memory_space<hbm>> -> memref<10000x16xf32, #tpu.memory_space<hbm>>
      tpu.wait_indirect_dma semaphore(%arg16 : memref<!tpu.dma_semaphore, #tpu.memory_space<semaphore_mem>>) src(%dma_wait3A_346 : memref<10000x16xf32, #tpu.memory_space<hbm>>) dst(%dma_wait3A_340 : memref<100x16xf32, #tpu.memory_space<vmem>>)
      %parallel_loop3A_347 = arith.constant 0 : i32
      %parallel_loop3A_348 = arith.constant 100 : i32
      %parallel_loop3A_349 = arith.constant 1 : i32
      scf.for %parallel_loop3A_379 = %parallel_loop3A_347 to %parallel_loop3A_348 step %parallel_loop3A_349  : i32 {
        %parallel_loop3A_380 = arith.constant 3 : i32
        %parallel_loop3A_381 = arith.index_cast %parallel_loop3A_380 : i32 to index
        %parallel_loop3A_382 = arith.index_cast %parallel_loop3A_379 : i32 to index
        %parallel_loop3A_383 = arith.constant 0 : index
        %parallel_loop3A_384 = tpu.vector_load %arg11[%parallel_loop3A_381, %parallel_loop3A_382, %parallel_loop3A_383] {strides = array<i32>} : memref<4x100x16xf32, #tpu.memory_space<vmem>>, vector<1x1x16xf32>,
        %parallel_loop3A_385 = vector.shape_cast %parallel_loop3A_384 : vector<1x1x16xf32> to vector<16xf32>
        %parallel_loop3A_386 = arith.constant 3 : i32
        %parallel_loop3A_387 = arith.index_cast %parallel_loop3A_386 : i32 to index
        %parallel_loop3A_388 = arith.index_cast %parallel_loop3A_379 : i32 to index
        %parallel_loop3A_389 = arith.constant 0 : index
        %parallel_loop3A_390 = tpu.vector_load %arg10[%parallel_loop3A_387, %parallel_loop3A_388, %parallel_loop3A_389] {strides = array<i32>} : memref<4x100x64xf32, #tpu.memory_space<vmem>>, vector<1x1x16xf32>,
        %parallel_loop3A_391 = vector.shape_cast %parallel_loop3A_390 : vector<1x1x16xf32> to vector<16xf32>
        %parallel_loop3A_392 = arith.constant 3 : i32
        %parallel_loop3A_393 = arith.index_cast %parallel_loop3A_392 : i32 to index
        %parallel_loop3A_394 = arith.index_cast %parallel_loop3A_379 : i32 to index
        %parallel_loop3A_395 = arith.constant 16 : index
        %parallel_loop3A_396 = tpu.vector_load %arg10[%parallel_loop3A_393, %parallel_loop3A_394, %parallel_loop3A_395] {strides = array<i32>} : memref<4x100x64xf32, #tpu.memory_space<vmem>>, vector<1x1x16xf32>,
        %parallel_loop3A_397 = vector.shape_cast %parallel_loop3A_396 : vector<1x1x16xf32> to vector<16xf32>
        %parallel_loop3A_398 = arith.constant 3 : i32
        %parallel_loop3A_399 = arith.index_cast %parallel_loop3A_398 : i32 to index
        %parallel_loop3A_400 = arith.index_cast %parallel_loop3A_379 : i32 to index
        %parallel_loop3A_401 = arith.constant 32 : index
        %parallel_loop3A_402 = tpu.vector_load %arg10[%parallel_loop3A_399, %parallel_loop3A_400, %parallel_loop3A_401] {strides = array<i32>} : memref<4x100x64xf32, #tpu.memory_space<vmem>>, vector<1x1x16xf32>,
        %parallel_loop3A_403 = vector.shape_cast %parallel_loop3A_402 : vector<1x1x16xf32> to vector<16xf32>
        %parallel_loop3A_404 = arith.constant 3 : i32
        %parallel_loop3A_405 = arith.index_cast %parallel_loop3A_404 : i32 to index
        %parallel_loop3A_406 = arith.index_cast %parallel_loop3A_379 : i32 to index
        %parallel_loop3A_407 = arith.constant 48 : index
        %parallel_loop3A_408 = tpu.vector_load %arg10[%parallel_loop3A_405, %parallel_loop3A_406, %parallel_loop3A_407] {strides = array<i32>} : memref<4x100x64xf32, #tpu.memory_space<vmem>>, vector<1x1x16xf32>,
        %parallel_loop3A_409 = vector.shape_cast %parallel_loop3A_408 : vector<1x1x16xf32> to vector<16xf32>
        %parallel_loop3A_410 = arith.addf %parallel_loop3A_391, %parallel_loop3A_385 : vector<16xf32>
        %parallel_loop3A_411 = arith.constant 2.000000e-01 : f32
        %parallel_loop3A_412 = vector.broadcast %parallel_loop3A_411 : f32 to vector<16xf32>
        %parallel_loop3A_413 = arith.mulf %parallel_loop3A_412, %parallel_loop3A_410 : vector<16xf32>
        %parallel_loop3A_414 = arith.maximumf %parallel_loop3A_410, %parallel_loop3A_413 : vector<16xf32>
        %parallel_loop3A_415 = vector.shape_cast %min3A_55 : vector<16xi32> to vector<16x1xi32>
        %parallel_loop3A_416 = vector.shape_cast %parallel_loop3A_415 : vector<16x1xi32> to vector<16xi32>
        %parallel_loop3A_417 = tpu.dynamic_gather %parallel_loop3A_385[%parallel_loop3A_416] in [0] : vector<16xf32>, vector<16xi32> -> vector<16xf32>
        %parallel_loop3A_418 = arith.subf %parallel_loop3A_414, %parallel_loop3A_417 : vector<16xf32>
        %parallel_loop3A_419 = math.exp %parallel_loop3A_418 : vector<16xf32>
        %parallel_loop3A_420 = arith.mulf %parallel_loop3A_419, %convert_element_type3A_68 : vector<16xf32>
        %parallel_loop3A_421 = vector.shape_cast %mul3A_9 : vector<16xi32> to vector<16x1xi32>
        %parallel_loop3A_422 = vector.shape_cast %parallel_loop3A_421 : vector<16x1xi32> to vector<16xi32>
        %parallel_loop3A_423 = tpu.dynamic_gather %parallel_loop3A_419[%parallel_loop3A_422] in [0] : vector<16xf32>, vector<16xi32> -> vector<16xf32>
        %parallel_loop3A_424 = arith.mulf %parallel_loop3A_391, %parallel_loop3A_423 : vector<16xf32>
        %parallel_loop3A_425 = arith.mulf %parallel_loop3A_424, %convert_element_type3A_78 : vector<16xf32>
        %parallel_loop3A_426 = arith.addf %parallel_loop3A_420, %parallel_loop3A_425 : vector<16xf32>
        %parallel_loop3A_427 = arith.constant 3 : i32
        %parallel_loop3A_428 = arith.index_cast %parallel_loop3A_427 : i32 to index
        %parallel_loop3A_429 = arith.index_cast %parallel_loop3A_379 : i32 to index
        %parallel_loop3A_430 = arith.constant 0 : index
        %parallel_loop3A_431 = tpu.vector_load %arg10[%parallel_loop3A_428, %parallel_loop3A_429, %parallel_loop3A_430] {strides = array<i32>} : memref<4x100x64xf32, #tpu.memory_space<vmem>>, vector<1x1x16xf32>,
        %parallel_loop3A_432 = vector.shape_cast %parallel_loop3A_431 : vector<1x1x16xf32> to vector<16xf32>
        %parallel_loop3A_433 = vector.shape_cast %parallel_loop3A_426 : vector<16xf32> to vector<1x1x16xf32>
        tpu.vector_store %arg10[%parallel_loop3A_428, %parallel_loop3A_429, %parallel_loop3A_430], %parallel_loop3A_433 {strides = array<i32>} : memref<4x100x64xf32, #tpu.memory_space<vmem>>, vector<1x1x16xf32>,
        %parallel_loop3A_434 = vector.shape_cast %min3A_15 : vector<16xi32> to vector<16x1xi32>
        %parallel_loop3A_435 = vector.shape_cast %parallel_loop3A_434 : vector<16x1xi32> to vector<16xi32>
        %parallel_loop3A_436 = tpu.dynamic_gather %parallel_loop3A_419[%parallel_loop3A_435] in [0] : vector<16xf32>, vector<16xi32> -> vector<16xf32>
        %parallel_loop3A_437 = arith.mulf %parallel_loop3A_397, %parallel_loop3A_436 : vector<16xf32>
        %parallel_loop3A_438 = arith.constant 3 : i32
        %parallel_loop3A_439 = arith.index_cast %parallel_loop3A_438 : i32 to index
        %parallel_loop3A_440 = arith.index_cast %parallel_loop3A_379 : i32 to index
        %parallel_loop3A_441 = arith.constant 16 : index
        %parallel_loop3A_442 = tpu.vector_load %arg10[%parallel_loop3A_439, %parallel_loop3A_440, %parallel_loop3A_441] {strides = array<i32>} : memref<4x100x64xf32, #tpu.memory_space<vmem>>, vector<1x1x16xf32>,
        %parallel_loop3A_443 = vector.shape_cast %parallel_loop3A_442 : vector<1x1x16xf32> to vector<16xf32>
        %parallel_loop3A_444 = vector.shape_cast %parallel_loop3A_437 : vector<16xf32> to vector<1x1x16xf32>
        tpu.vector_store %arg10[%parallel_loop3A_439, %parallel_loop3A_440, %parallel_loop3A_441], %parallel_loop3A_444 {strides = array<i32>} : memref<4x100x64xf32, #tpu.memory_space<vmem>>, vector<1x1x16xf32>,
        %parallel_loop3A_445 = vector.shape_cast %add3A_37 : vector<16xi32> to vector<16x1xi32>
        %parallel_loop3A_446 = vector.shape_cast %parallel_loop3A_445 : vector<16x1xi32> to vector<16xi32>
        %parallel_loop3A_447 = tpu.dynamic_gather %parallel_loop3A_419[%parallel_loop3A_446] in [0] : vector<16xf32>, vector<16xi32> -> vector<16xf32>
        %parallel_loop3A_448 = arith.mulf %parallel_loop3A_403, %parallel_loop3A_447 : vector<16xf32>
        %parallel_loop3A_449 = arith.constant 3 : i32
        %parallel_loop3A_450 = arith.index_cast %parallel_loop3A_449 : i32 to index
        %parallel_loop3A_451 = arith.index_cast %parallel_loop3A_379 : i32 to index
        %parallel_loop3A_452 = arith.constant 32 : index
        %parallel_loop3A_453 = tpu.vector_load %arg10[%parallel_loop3A_450, %parallel_loop3A_451, %parallel_loop3A_452] {strides = array<i32>} : memref<4x100x64xf32, #tpu.memory_space<vmem>>, vector<1x1x16xf32>,
        %parallel_loop3A_454 = vector.shape_cast %parallel_loop3A_453 : vector<1x1x16xf32> to vector<16xf32>
        %parallel_loop3A_455 = vector.shape_cast %parallel_loop3A_448 : vector<16xf32> to vector<1x1x16xf32>
        tpu.vector_store %arg10[%parallel_loop3A_450, %parallel_loop3A_451, %parallel_loop3A_452], %parallel_loop3A_455 {strides = array<i32>} : memref<4x100x64xf32, #tpu.memory_space<vmem>>, vector<1x1x16xf32>,
        %parallel_loop3A_456 = vector.shape_cast %add3A_49 : vector<16xi32> to vector<16x1xi32>
        %parallel_loop3A_457 = vector.shape_cast %parallel_loop3A_456 : vector<16x1xi32> to vector<16xi32>
        %parallel_loop3A_458 = tpu.dynamic_gather %parallel_loop3A_419[%parallel_loop3A_457] in [0] : vector<16xf32>, vector<16xi32> -> vector<16xf32>
        %parallel_loop3A_459 = arith.mulf %parallel_loop3A_409, %parallel_loop3A_458 : vector<16xf32>
        %parallel_loop3A_460 = arith.constant 3 : i32
        %parallel_loop3A_461 = arith.index_cast %parallel_loop3A_460 : i32 to index
        %parallel_loop3A_462 = arith.index_cast %parallel_loop3A_379 : i32 to index
        %parallel_loop3A_463 = arith.constant 48 : index
        %parallel_loop3A_464 = tpu.vector_load %arg10[%parallel_loop3A_461, %parallel_loop3A_462, %parallel_loop3A_463] {strides = array<i32>} : memref<4x100x64xf32, #tpu.memory_space<vmem>>, vector<1x1x16xf32>,
        %parallel_loop3A_465 = vector.shape_cast %parallel_loop3A_464 : vector<1x1x16xf32> to vector<16xf32>
        %parallel_loop3A_466 = vector.shape_cast %parallel_loop3A_459 : vector<16xf32> to vector<1x1x16xf32>
        tpu.vector_store %arg10[%parallel_loop3A_461, %parallel_loop3A_462, %parallel_loop3A_463], %parallel_loop3A_466 {strides = array<i32>} : memref<4x100x64xf32, #tpu.memory_space<vmem>>, vector<1x1x16xf32>,
      } {sc.loop_unroll_factor = 4 : i64, sc.parallel_access}
      %dma_start3A_350 = arith.constant 3 : i32
      %dma_start3A_351 = arith.constant 0 : i32
      %dma_start3A_352 = arith.constant 0 : i32
      %dma_start3A_353 = tpu.memref_slice %arg10[%dma_start3A_350, %dma_start3A_351, %dma_start3A_352] : memref<4x100x64xf32, #tpu.memory_space<vmem>> -> memref<1x100x64xf32, #tpu.memory_space<vmem>>
      %dma_start3A_354 = tpu.memref_squeeze %dma_start3A_353 : memref<1x100x64xf32, #tpu.memory_space<vmem>> -> memref<100x64xf32, #tpu.memory_space<vmem>>
      %dma_start3A_355 = arith.constant 0 : i32
      %dma_start3A_356 = tpu.memref_slice %arg9[%add3A_324, %dma_start3A_355] : memref<100x100xi32, #tpu.memory_space<vmem>> -> memref<1x100xi32, #tpu.memory_space<vmem>>
      %dma_start3A_357 = tpu.memref_squeeze %dma_start3A_356 : memref<1x100xi32, #tpu.memory_space<vmem>> -> memref<100xi32, #tpu.memory_space<vmem>>
      %dma_start3A_358 = arith.constant 0 : i32
      %dma_start3A_359 = arith.constant 0 : i32
      %dma_start3A_360 = tpu.memref_slice %arg12[%dma_start3A_358, %dma_start3A_359] : memref<10000x64xf32, #tpu.memory_space<vmem_shared>> -> memref<10000x64xf32, #tpu.memory_space<vmem_shared>>
      tpu.enqueue_indirect_dma source(%dma_start3A_354 : memref<100x64xf32, #tpu.memory_space<vmem>>) target(%dma_start3A_360 : memref<10000x64xf32, #tpu.memory_space<vmem_shared>>) offsets(%dma_start3A_357 : memref<100xi32, #tpu.memory_space<vmem>>) semaphore(%arg20 : memref<!tpu.dma_semaphore, #tpu.memory_space<semaphore_mem>>) {add = true}
      %dma_wait3A_361 = arith.constant 1 : i32
      %dma_wait3A_362 = arith.constant 0 : i32
      %dma_wait3A_363 = arith.constant 0 : i32
      %dma_wait3A_364 = tpu.memref_slice %arg10[%dma_wait3A_361, %dma_wait3A_362, %dma_wait3A_363] : memref<4x100x64xf32, #tpu.memory_space<vmem>> -> memref<1x100x64xf32, #tpu.memory_space<vmem>>
      %dma_wait3A_365 = tpu.memref_squeeze %dma_wait3A_364 : memref<1x100x64xf32, #tpu.memory_space<vmem>> -> memref<100x64xf32, #tpu.memory_space<vmem>>
      %dma_wait3A_366 = arith.constant 0 : i32
      %dma_wait3A_367 = tpu.memref_slice %arg9[%add3A_324, %dma_wait3A_366] : memref<100x100xi32, #tpu.memory_space<vmem>> -> memref<1x100xi32, #tpu.memory_space<vmem>>
      %dma_wait3A_368 = tpu.memref_squeeze %dma_wait3A_367 : memref<1x100xi32, #tpu.memory_space<vmem>> -> memref<100xi32, #tpu.memory_space<vmem>>
      %dma_wait3A_369 = arith.constant 0 : i32
      %dma_wait3A_370 = arith.constant 0 : i32
      %dma_wait3A_371 = tpu.memref_slice %arg12[%dma_wait3A_369, %dma_wait3A_370] : memref<10000x64xf32, #tpu.memory_space<vmem_shared>> -> memref<10000x64xf32, #tpu.memory_space<vmem_shared>>
      tpu.wait_indirect_dma semaphore(%arg18 : memref<!tpu.dma_semaphore, #tpu.memory_space<semaphore_mem>>) src(%dma_wait3A_365 : memref<100x64xf32, #tpu.memory_space<vmem>>) dst(%dma_wait3A_371 : memref<10000x64xf32, #tpu.memory_space<vmem_shared>>)
      %add3A_372 = arith.constant 2 : i32
      %add3A_373 = arith.addi %add3A_324, %add3A_372 : i32
      %lt3A_374 = arith.constant 100 : i32
      %lt3A_375 = arith.cmpi slt, %add3A_373, %lt3A_374 : i32
      %convert_element_type3A_376 = arith.extui %lt3A_375 : i1 to i32
      %cond3A_377 = arith.constant 0 : i32
      %cond3A_378 = arith.cmpi ne, %convert_element_type3A_376, %cond3A_377 : i32
      scf.if %cond3A_378 {
        %add3A_379 = arith.constant 2 : i32
        %add3A_380 = arith.addi %add3A_324, %add3A_379 : i32
        %dma_start3A_381 = arith.constant 1 : i32
        %dma_start3A_382 = arith.constant 0 : i32
        %dma_start3A_383 = arith.constant 0 : i32
        %dma_start3A_384 = tpu.memref_slice %arg10[%dma_start3A_381, %dma_start3A_382, %dma_start3A_383] : memref<4x100x64xf32, #tpu.memory_space<vmem>> -> memref<1x100x64xf32, #tpu.memory_space<vmem>>
        %dma_start3A_385 = tpu.memref_squeeze %dma_start3A_384 : memref<1x100x64xf32, #tpu.memory_space<vmem>> -> memref<100x64xf32, #tpu.memory_space<vmem>>
        %dma_start3A_386 = arith.constant 0 : i32
        %dma_start3A_387 = tpu.memref_slice %arg8[%add3A_380, %dma_start3A_386] : memref<100x100xi32, #tpu.memory_space<vmem>> -> memref<1x100xi32, #tpu.memory_space<vmem>>
        %dma_start3A_388 = tpu.memref_squeeze %dma_start3A_387 : memref<1x100xi32, #tpu.memory_space<vmem>> -> memref<100xi32, #tpu.memory_space<vmem>>
        %dma_start3A_389 = arith.constant 0 : i32
        %dma_start3A_390 = arith.constant 0 : i32
        %dma_start3A_391 = tpu.memref_slice %arg2[%dma_start3A_389, %dma_start3A_390] : memref<10000x64xf32, #tpu.memory_space<hbm>> -> memref<10000x64xf32, #tpu.memory_space<hbm>>
        tpu.enqueue_indirect_dma source(%dma_start3A_391 : memref<10000x64xf32, #tpu.memory_space<hbm>>) target(%dma_start3A_385 : memref<100x64xf32, #tpu.memory_space<vmem>>) offsets(%dma_start3A_388 : memref<100xi32, #tpu.memory_space<vmem>>) semaphore(%arg14 : memref<!tpu.dma_semaphore, #tpu.memory_space<semaphore_mem>>)
        %dma_start3A_392 = arith.constant 1 : i32
        %dma_start3A_393 = arith.constant 0 : i32
        %dma_start3A_394 = arith.constant 0 : i32
        %dma_start3A_395 = tpu.memref_slice %arg11[%dma_start3A_392, %dma_start3A_393, %dma_start3A_394] : memref<4x100x16xf32, #tpu.memory_space<vmem>> -> memref<1x100x16xf32, #tpu.memory_space<vmem>>
        %dma_start3A_396 = tpu.memref_squeeze %dma_start3A_395 : memref<1x100x16xf32, #tpu.memory_space<vmem>> -> memref<100x16xf32, #tpu.memory_space<vmem>>
        %dma_start3A_397 = arith.constant 0 : i32
        %dma_start3A_398 = tpu.memref_slice %arg9[%add3A_380, %dma_start3A_397] : memref<100x100xi32, #tpu.memory_space<vmem>> -> memref<1x100xi32, #tpu.memory_space<vmem>>
        %dma_start3A_399 = tpu.memref_squeeze %dma_start3A_398 : memref<1x100xi32, #tpu.memory_space<vmem>> -> memref<100xi32, #tpu.memory_space<vmem>>
        %dma_start3A_400 = arith.constant 0 : i32
        %dma_start3A_401 = arith.constant 0 : i32
        %dma_start3A_402 = tpu.memref_slice %arg3[%dma_start3A_400, %dma_start3A_401] : memref<10000x16xf32, #tpu.memory_space<hbm>> -> memref<10000x16xf32, #tpu.memory_space<hbm>>
        tpu.enqueue_indirect_dma source(%dma_start3A_402 : memref<10000x16xf32, #tpu.memory_space<hbm>>) target(%dma_start3A_396 : memref<100x16xf32, #tpu.memory_space<vmem>>) offsets(%dma_start3A_399 : memref<100xi32, #tpu.memory_space<vmem>>) semaphore(%arg14 : memref<!tpu.dma_semaphore, #tpu.memory_space<semaphore_mem>>)
      } else {
      }
    }
    %scan3A_130 = arith.constant 25 : i32
    %dma_wait3A = arith.constant 2 : i32
    %dma_wait3A_131 = arith.constant 98 : i32
    %dma_wait3A_132 = arith.constant 0 : i32
    %dma_wait3A_133 = arith.constant 0 : i32
    %dma_wait3A_134 = tpu.memref_slice %arg10[%dma_wait3A, %dma_wait3A_132, %dma_wait3A_133] : memref<4x100x64xf32, #tpu.memory_space<vmem>> -> memref<1x100x64xf32, #tpu.memory_space<vmem>>
    %dma_wait3A_135 = tpu.memref_squeeze %dma_wait3A_134 : memref<1x100x64xf32, #tpu.memory_space<vmem>> -> memref<100x64xf32, #tpu.memory_space<vmem>>
    %dma_wait3A_136 = arith.constant 0 : i32
    %dma_wait3A_137 = tpu.memref_slice %arg9[%dma_wait3A_131, %dma_wait3A_136] : memref<100x100xi32, #tpu.memory_space<vmem>> -> memref<1x100xi32, #tpu.memory_space<vmem>>
    %dma_wait3A_138 = tpu.memref_squeeze %dma_wait3A_137 : memref<1x100xi32, #tpu.memory_space<vmem>> -> memref<100xi32, #tpu.memory_space<vmem>>
    %dma_wait3A_139 = arith.constant 0 : i32
    %dma_wait3A_140 = arith.constant 0 : i32
    %dma_wait3A_141 = tpu.memref_slice %arg12[%dma_wait3A_139, %dma_wait3A_140] : memref<10000x64xf32, #tpu.memory_space<vmem_shared>> -> memref<10000x64xf32, #tpu.memory_space<vmem_shared>>
    tpu.wait_indirect_dma semaphore(%arg19 : memref<!tpu.dma_semaphore, #tpu.memory_space<semaphore_mem>>) src(%dma_wait3A_135 : memref<100x64xf32, #tpu.memory_space<vmem>>) dst(%dma_wait3A_141 : memref<10000x64xf32, #tpu.memory_space<vmem_shared>>)
    %dma_wait3A_142 = arith.constant 3 : i32
    %dma_wait3A_143 = arith.constant 99 : i32
    %dma_wait3A_144 = arith.constant 0 : i32
    %dma_wait3A_145 = arith.constant 0 : i32
    %dma_wait3A_146 = tpu.memref_slice %arg10[%dma_wait3A_142, %dma_wait3A_144, %dma_wait3A_145] : memref<4x100x64xf32, #tpu.memory_space<vmem>> -> memref<1x100x64xf32, #tpu.memory_space<vmem>>
    %dma_wait3A_147 = tpu.memref_squeeze %dma_wait3A_146 : memref<1x100x64xf32, #tpu.memory_space<vmem>> -> memref<100x64xf32, #tpu.memory_space<vmem>>
    %dma_wait3A_148 = arith.constant 0 : i32
    %dma_wait3A_149 = tpu.memref_slice %arg9[%dma_wait3A_143, %dma_wait3A_148] : memref<100x100xi32, #tpu.memory_space<vmem>> -> memref<1x100xi32, #tpu.memory_space<vmem>>
    %dma_wait3A_150 = tpu.memref_squeeze %dma_wait3A_149 : memref<1x100xi32, #tpu.memory_space<vmem>> -> memref<100xi32, #tpu.memory_space<vmem>>
    %dma_wait3A_151 = arith.constant 0 : i32
    %dma_wait3A_152 = arith.constant 0 : i32
    %dma_wait3A_153 = tpu.memref_slice %arg12[%dma_wait3A_151, %dma_wait3A_152] : memref<10000x64xf32, #tpu.memory_space<vmem_shared>> -> memref<10000x64xf32, #tpu.memory_space<vmem_shared>>
    tpu.wait_indirect_dma semaphore(%arg20 : memref<!tpu.dma_semaphore, #tpu.memory_space<semaphore_mem>>) src(%dma_wait3A_147 : memref<100x64xf32, #tpu.memory_space<vmem>>) dst(%dma_wait3A_153 : memref<10000x64xf32, #tpu.memory_space<vmem_shared>>)
    %barrier3A_154 = arith.constant 0 : index
    tpu.barrier barrier_id(%barrier3A_154)
    %lt3A_155 = arith.constant 10 : i32
    %lt3A_156 = arith.cmpi slt, %arg1, %lt3A_155 : i32
    %convert_element_type3A_157 = arith.extui %lt3A_156 : i1 to i32
    %cond3A_158 = arith.constant 0 : i32
    %cond3A_159 = arith.cmpi ne, %convert_element_type3A_157, %cond3A_158 : i32
    scf.if %cond3A_159 {
      %mul3A_160 = arith.constant 1000 : i32
      %mul3A_161 = arith.muli %arg1, %mul3A_160 : i32
      %mul3A_162 = arith.constant 10000 : i32
      %mul3A_163 = arith.muli %arg0, %mul3A_162 : i32
      %mul3A_164 = arith.constant 1000 : i32
      %mul3A_165 = arith.muli %arg1, %mul3A_164 : i32
      %add3A_166 = arith.addi %mul3A_163, %mul3A_165 : i32
      "tpu.region"() ({
        %run_scoped3A = tpu.sem_alloc : memref<!tpu.dma_semaphore, #tpu.memory_space<semaphore_mem>>
        %dma_start3A_167 = arith.constant 0 : i32
        %dma_start3A_168 = tpu.memref_slice %arg7[%add3A_166, %dma_start3A_167] : memref<20000x64xf32, #tpu.memory_space<hbm>> -> memref<1000x64xf32, #tpu.memory_space<hbm>>
        %dma_start3A_169 = arith.constant 0 : i32
        %dma_start3A_170 = tpu.memref_slice %arg12[%mul3A_161, %dma_start3A_169] : memref<10000x64xf32, #tpu.memory_space<vmem_shared>> -> memref<1000x64xf32, #tpu.memory_space<vmem_shared>>
        tpu.enqueue_dma source(%dma_start3A_170 : memref<1000x64xf32, #tpu.memory_space<vmem_shared>>) target(%dma_start3A_168 : memref<1000x64xf32, #tpu.memory_space<hbm>>) target_semaphore(%run_scoped3A : memref<!tpu.dma_semaphore, #tpu.memory_space<semaphore_mem>>)
        %dma_wait3A_171 = arith.constant 0 : i32
        %dma_wait3A_172 = tpu.memref_slice %arg7[%add3A_166, %dma_wait3A_171] : memref<20000x64xf32, #tpu.memory_space<hbm>> -> memref<1000x64xf32, #tpu.memory_space<hbm>>
        %dma_wait3A_173 = arith.constant 0 : i32
        %dma_wait3A_174 = tpu.memref_slice %arg12[%mul3A_161, %dma_wait3A_173] : memref<10000x64xf32, #tpu.memory_space<vmem_shared>> -> memref<1000x64xf32, #tpu.memory_space<vmem_shared>>
        tpu.wait_dma2 semaphore(%run_scoped3A : memref<!tpu.dma_semaphore, #tpu.memory_space<semaphore_mem>>) src(%dma_wait3A_174 : memref<1000x64xf32, #tpu.memory_space<vmem_shared>>) dst(%dma_wait3A_172 : memref<1000x64xf32, #tpu.memory_space<hbm>>)
        tpu.yield
      }) : () -> ()
    } else {
    }
    return
  }
}

module attributes {stable_mosaic.version = 14 : i64} {
  func.func @_node_tables_body(%arg0: i32, %arg1: memref<400x200xf32, #tpu.memory_space<vmem>>, %arg2: memref<50x200xf32, #tpu.memory_space<vmem>>, %arg3: memref<50x5xf32, #tpu.memory_space<vmem>>, %arg4: memref<50x5xf32, #tpu.memory_space<vmem>>, %arg5: memref<400x64xf32, #tpu.memory_space<vmem>>, %arg6: memref<400x16xf32, #tpu.memory_space<vmem>>) attributes {dimension_semantics = [#tpu.dimension_semantics<arbitrary>], iteration_bounds = array<i64: 25>, scalar_prefetch = 0 : i64, scratch_operands = 0 : i64, tpu.core_type = #tpu.core_type<tc>, window_params = [{transform_indices = @transform_0, window_bounds = array<i64: 400, 200>}, {pipeline_mode = #tpu.pipeline_mode<synchronous>, transform_indices = @transform_1, window_bounds = array<i64: 50, 200>}, {pipeline_mode = #tpu.pipeline_mode<synchronous>, transform_indices = @transform_2, window_bounds = array<i64: 50, 5>}, {pipeline_mode = #tpu.pipeline_mode<synchronous>, transform_indices = @transform_3, window_bounds = array<i64: 50, 5>}, {transform_indices = @transform_4, window_bounds = array<i64: 400, 64>}, {transform_indices = @transform_5, window_bounds = array<i64: 400, 16>}]} {
    %get3A = arith.constant 0 : index
    %get3A_0 = arith.constant 0 : index
    %get3A_1 = vector.load %arg1[%get3A, %get3A_0] : memref<400x200xf32, #tpu.memory_space<vmem>>, vector<400x200xf32>
    %get3A_2 = arith.constant 0 : index
    %get3A_3 = arith.constant 0 : index
    %get3A_4 = vector.load %arg2[%get3A_2, %get3A_3] : memref<50x200xf32, #tpu.memory_space<vmem>>, vector<50x200xf32>
    %dot_general3A = arith.constant dense<0.000000e+00> : vector<400x50xf32>
    %dot_general3A_5 = tpu.matmul %get3A_1, %get3A_4, %dot_general3A {dimension_numbers = #tpu.dot_dimension_numbers<[1], [1], [0], [0], [0, 0, 1, 0], [], []>, transpose_lhs_hint = false} : vector<400x200xf32>, vector<50x200xf32>, vector<400x50xf32> -> vector<400x50xf32>
    %get3A_6 = arith.constant 0 : index
    %get3A_7 = arith.constant 0 : index
    %get3A_8 = vector.load %arg3[%get3A_6, %get3A_7] : memref<50x5xf32, #tpu.memory_space<vmem>>, vector<50x5xf32>
    %dot_general3A_9 = arith.constant dense<0.000000e+00> : vector<400x5xf32>
    %dot_general3A_10 = tpu.matmul %dot_general3A_5, %get3A_8, %dot_general3A_9 {dimension_numbers = #tpu.dot_dimension_numbers<[1], [0], [0], [1], [0, 0, 1, 1], [], []>, transpose_lhs_hint = false} : vector<400x50xf32>, vector<50x5xf32>, vector<400x5xf32> -> vector<400x5xf32>
    %get3A_11 = arith.constant 0 : index
    %get3A_12 = arith.constant 0 : index
    %get3A_13 = vector.load %arg4[%get3A_11, %get3A_12] : memref<50x5xf32, #tpu.memory_space<vmem>>, vector<50x5xf32>
    %dot_general3A_14 = arith.constant dense<0.000000e+00> : vector<400x5xf32>
    %dot_general3A_15 = tpu.matmul %dot_general3A_5, %get3A_13, %dot_general3A_14 {dimension_numbers = #tpu.dot_dimension_numbers<[1], [0], [0], [1], [0, 0, 1, 1], [], []>, transpose_lhs_hint = false} : vector<400x50xf32>, vector<50x5xf32>, vector<400x5xf32> -> vector<400x5xf32>
    %add3A = arith.addf %dot_general3A_10, %dot_general3A_15 : vector<400x5xf32>
    %mul3A = arith.constant 2.000000e-01 : f32
    %mul3A_16 = vector.broadcast %mul3A : f32 to vector<400x5xf32>
    %mul3A_17 = arith.mulf %mul3A_16, %add3A : vector<400x5xf32>
    %max3A = arith.maximumf %add3A, %mul3A_17 : vector<400x5xf32>
    %broadcast_in_dim3A = arith.constant 0.000000e+00 : f32
    %broadcast_in_dim3A_18 = vector.broadcast %broadcast_in_dim3A : f32 to vector<400x9xf32>
    %concatenate3A = tpu.concatenate %dot_general3A_10, %broadcast_in_dim3A_18, %dot_general3A_5 in 1 : vector<400x5xf32>, vector<400x9xf32>, vector<400x50xf32> -> vector<400x64xf32>
    %swap3A = arith.constant 0 : index
    %swap3A_19 = arith.constant 0 : index
    %swap3A_20 = vector.load %arg5[%swap3A, %swap3A_19] : memref<400x64xf32, #tpu.memory_space<vmem>>, vector<400x64xf32>
    tpu.vector_store %arg5[%swap3A, %swap3A_19], %concatenate3A {strides = array<i32>} : memref<400x64xf32, #tpu.memory_space<vmem>>, vector<400x64xf32>,
    %broadcast_in_dim3A_21 = arith.constant 0.000000e+00 : f32
    %broadcast_in_dim3A_22 = vector.broadcast %broadcast_in_dim3A_21 : f32 to vector<400x6xf32>
    %concatenate3A_23 = tpu.concatenate %dot_general3A_15, %max3A, %broadcast_in_dim3A_22 in 1 : vector<400x5xf32>, vector<400x5xf32>, vector<400x6xf32> -> vector<400x16xf32>
    %swap3A_24 = arith.constant 0 : index
    %swap3A_25 = arith.constant 0 : index
    %swap3A_26 = vector.load %arg6[%swap3A_24, %swap3A_25] : memref<400x16xf32, #tpu.memory_space<vmem>>, vector<400x16xf32>
    tpu.vector_store %arg6[%swap3A_24, %swap3A_25], %concatenate3A_23 {strides = array<i32>} : memref<400x16xf32, #tpu.memory_space<vmem>>, vector<400x16xf32>,
    return
  }
  func.func @transform_0(%arg0: i32) -> (i32, i32) {
    %c0_i32 = arith.constant 0 : i32
    %c0_i32_0 = arith.constant 0 : i32
    return %arg0, %c0_i32 : i32, i32
  }
  func.func @transform_1(%arg0: i32) -> (i32, i32) {
    %c0_i32 = arith.constant 0 : i32
    %c0_i32_0 = arith.constant 0 : i32
    %c0_i32_1 = arith.constant 0 : i32
    return %c0_i32, %c0_i32_0 : i32, i32
  }
  func.func @transform_2(%arg0: i32) -> (i32, i32) {
    %c0_i32 = arith.constant 0 : i32
    %c0_i32_0 = arith.constant 0 : i32
    %c0_i32_1 = arith.constant 0 : i32
    return %c0_i32, %c0_i32_0 : i32, i32
  }
  func.func @transform_3(%arg0: i32) -> (i32, i32) {
    %c0_i32 = arith.constant 0 : i32
    %c0_i32_0 = arith.constant 0 : i32
    %c0_i32_1 = arith.constant 0 : i32
    return %c0_i32, %c0_i32_0 : i32, i32
  }
  func.func @transform_4(%arg0: i32) -> (i32, i32) {
    %c0_i32 = arith.constant 0 : i32
    %c0_i32_0 = arith.constant 0 : i32
    return %arg0, %c0_i32 : i32, i32
  }
  func.func @transform_5(%arg0: i32) -> (i32, i32) {
    %c0_i32 = arith.constant 0 : i32
    %c0_i32_0 = arith.constant 0 : i32
    return %arg0, %c0_i32 : i32, i32
  }
}

module attributes {stable_mosaic.version = 14 : i64} {
  func.func @_finish_body(%arg0: memref<20000x64xf32, #tpu.memory_space<vmem>>, %arg1: memref<10000x64xf32, #tpu.memory_space<vmem>>, %arg2: memref<1x10000xi32, #tpu.memory_space<vmem>>, %arg3: memref<1x50xf32, #tpu.memory_space<vmem>>, %arg4: memref<1x50xf32, #tpu.memory_space<vmem>>, %arg5: memref<1x1xf32, #tpu.memory_space<vmem>>, %arg6: memref<5x50xf32, #tpu.memory_space<vmem>>, %arg7: memref<16x50xf32, #tpu.memory_space<vmem>>, %arg8: memref<16x1xf32, #tpu.memory_space<vmem>>) attributes {dimension_semantics = [], scalar_prefetch = 0 : i64, scratch_operands = 0 : i64, tpu.core_type = #tpu.core_type<tc>} {
    %get3A = arith.constant 0 : index
    %get3A_0 = arith.constant 0 : index
    %get3A_1 = vector.load %arg0[%get3A, %get3A_0] : memref<20000x64xf32, #tpu.memory_space<vmem>>, vector<10000x64xf32>
    %get3A_2 = arith.constant 10000 : index
    %get3A_3 = arith.constant 0 : index
    %get3A_4 = vector.load %arg0[%get3A_2, %get3A_3] : memref<20000x64xf32, #tpu.memory_space<vmem>>, vector<10000x64xf32>
    %add3A = arith.addf %get3A_1, %get3A_4 : vector<10000x64xf32>
    %get3A_5 = arith.constant 0 : index
    %get3A_6 = arith.constant 0 : index
    %get3A_7 = vector.load %arg1[%get3A_5, %get3A_6] : memref<10000x64xf32, #tpu.memory_space<vmem>>, vector<10000x64xf32>
    %iota3A = tpu.iota {dimensions = array<i32: 1>} : vector<10000x64xi32>
    %lt3A = arith.constant 5 : i32
    %lt3A_8 = vector.broadcast %lt3A : i32 to vector<10000x64xi32>
    %lt3A_9 = arith.cmpi slt, %iota3A, %lt3A_8 : vector<10000x64xi32>
    %lt3A_10 = arith.constant 14 : i32
    %lt3A_11 = vector.broadcast %lt3A_10 : i32 to vector<10000x64xi32>
    %lt3A_12 = arith.cmpi slt, %iota3A, %lt3A_11 : vector<10000x64xi32>
    %jit3A = arith.constant 0.000000e+00 : f32
    %broadcast_in_dim3A = vector.broadcast %jit3A : f32 to vector<10000x64xf32>
    %select_n3A = arith.select %lt3A_12, %broadcast_in_dim3A, %get3A_7 : vector<10000x64xi1>, vector<10000x64xf32>
    %jit3A_13 = arith.constant 1.000000e+00 : f32
    %broadcast_in_dim3A_14 = vector.broadcast %jit3A_13 : f32 to vector<10000x64xf32>
    %select_n3A_15 = arith.select %lt3A_9, %broadcast_in_dim3A_14, %select_n3A : vector<10000x64xi1>, vector<10000x64xf32>
    %add3A_16 = arith.addf %add3A, %select_n3A_15 : vector<10000x64xf32>
    %slice3A = vector.extract_strided_slice %add3A_16 {offsets = [0, 0], sizes = [10000, 5], strides = [1, 1]} : vector<10000x64xf32> to vector<10000x5xf32>
    %slice3A_17 = vector.extract_strided_slice %add3A_16 {offsets = [0, 14], sizes = [10000, 50], strides = [1, 1]} : vector<10000x64xf32> to vector<10000x50xf32>
    %get3A_18 = arith.constant 0 : index
    %get3A_19 = arith.constant 0 : index
    %get3A_20 = vector.load %arg6[%get3A_18, %get3A_19] : memref<5x50xf32, #tpu.memory_space<vmem>>, vector<5x50xf32>
    %dot_general3A = arith.constant dense<0.000000e+00> : vector<10000x50xf32>
    %dot_general3A_21 = tpu.matmul %slice3A, %get3A_20, %dot_general3A {dimension_numbers = #tpu.dot_dimension_numbers<[1], [0], [0], [1], [0, 0, 1, 1], [], []>, transpose_lhs_hint = false} : vector<10000x5xf32>, vector<5x50xf32>, vector<10000x50xf32> -> vector<10000x50xf32>
    %add3A_22 = arith.constant 1.000000e-16 : f32
    %add3A_23 = vector.broadcast %add3A_22 : f32 to vector<10000x50xf32>
    %add3A_24 = arith.addf %dot_general3A_21, %add3A_23 : vector<10000x50xf32>
    %div3A = arith.divf %slice3A_17, %add3A_24 : vector<10000x50xf32>
    %get3A_25 = arith.constant 0 : index
    %get3A_26 = arith.constant 0 : index
    %get3A_27 = vector.load %arg3[%get3A_25, %get3A_26] : memref<1x50xf32, #tpu.memory_space<vmem>>, vector<1x50xf32>
    %add3A_28 = vector.broadcast %get3A_27 : vector<1x50xf32> to vector<10000x50xf32>
    %add3A_29 = arith.addf %div3A, %add3A_28 : vector<10000x50xf32>
    %gt3A = arith.constant 0.000000e+00 : f32
    %gt3A_30 = vector.broadcast %gt3A : f32 to vector<10000x50xf32>
    %gt3A_31 = arith.cmpf ogt, %add3A_29, %gt3A_30 : vector<10000x50xf32>
    %min3A = arith.constant 0.000000e+00 : f32
    %min3A_32 = vector.broadcast %min3A : f32 to vector<10000x50xf32>
    %min3A_33 = arith.minimumf %add3A_29, %min3A_32 : vector<10000x50xf32>
    %exp3A = math.exp %min3A_33 : vector<10000x50xf32>
    %sub3A = arith.constant 1.000000e+00 : f32
    %sub3A_34 = vector.broadcast %sub3A : f32 to vector<10000x50xf32>
    %sub3A_35 = arith.subf %exp3A, %sub3A_34 : vector<10000x50xf32>
    %select_n3A_36 = arith.select %gt3A_31, %add3A_29, %sub3A_35 : vector<10000x50xi1>, vector<10000x50xf32>
    %get3A_37 = arith.constant 0 : index
    %get3A_38 = arith.constant 0 : index
    %get3A_39 = vector.load %arg2[%get3A_37, %get3A_38] : memref<1x10000xi32, #tpu.memory_space<vmem>>, vector<1x10000xi32>
    %iota3A_40 = tpu.iota {dimensions = array<i32: 0>} : vector<16x10000xi32>
    %eq3A = vector.broadcast %get3A_39 : vector<1x10000xi32> to vector<16x10000xi32>
    %eq3A_41 = arith.cmpi eq, %iota3A_40, %eq3A : vector<16x10000xi32>
    %convert_element_type3A = arith.extui %eq3A_41 : vector<16x10000xi1> to vector<16x10000xi32>
    %convert_element_type3A_42 = arith.sitofp %convert_element_type3A : vector<16x10000xi32> to vector<16x10000xf32>
    %dot_general3A_43 = arith.constant dense<0.000000e+00> : vector<16x50xf32>
    %dot_general3A_44 = tpu.matmul %convert_element_type3A_42, %select_n3A_36, %dot_general3A_43 {dimension_numbers = #tpu.dot_dimension_numbers<[1], [0], [0], [1], [0, 0, 1, 1], [], []>, transpose_lhs_hint = false} : vector<16x10000xf32>, vector<10000x50xf32>, vector<16x50xf32> -> vector<16x50xf32>
    %reduce_sum3A = arith.constant dense<0.000000e+00> : vector<16xf32>
    %reduce_sum3A_45 = vector.multi_reduction <add>, %convert_element_type3A_42, %reduce_sum3A [1] : vector<16x10000xf32> to vector<16xf32>
    %broadcast_in_dim3A_46 = vector.shape_cast %reduce_sum3A_45 : vector<16xf32> to vector<16x1xf32>
    %max3A = arith.constant 1.000000e+00 : f32
    %max3A_47 = vector.broadcast %max3A : f32 to vector<16x1xf32>
    %max3A_48 = arith.maximumf %broadcast_in_dim3A_46, %max3A_47 : vector<16x1xf32>
    %div3A_49 = vector.broadcast %max3A_48 : vector<16x1xf32> to vector<16x50xf32>
    %div3A_50 = arith.divf %dot_general3A_44, %div3A_49 : vector<16x50xf32>
    %get3A_51 = arith.constant 0 : index
    %get3A_52 = arith.constant 0 : index
    %get3A_53 = vector.load %arg4[%get3A_51, %get3A_52] : memref<1x50xf32, #tpu.memory_space<vmem>>, vector<1x50xf32>
    %mul3A = vector.broadcast %get3A_53 : vector<1x50xf32> to vector<16x50xf32>
    %mul3A_54 = arith.mulf %div3A_50, %mul3A : vector<16x50xf32>
    %reduce_sum3A_55 = arith.constant dense<0.000000e+00> : vector<16xf32>
    %reduce_sum3A_56 = vector.multi_reduction <add>, %mul3A_54, %reduce_sum3A_55 [1] : vector<16x50xf32> to vector<16xf32>
    %broadcast_in_dim3A_57 = vector.shape_cast %reduce_sum3A_56 : vector<16xf32> to vector<16x1xf32>
    %get3A_58 = arith.constant 0 : index
    %get3A_59 = arith.constant 0 : index
    %get3A_60 = vector.load %arg5[%get3A_58, %get3A_59] : memref<1x1xf32, #tpu.memory_space<vmem>>, vector<1x1xf32>
    %get3A_61 = vector.extract %get3A_60[0, 0] : f32 from vector<1x1xf32>
    %add3A_62 = vector.broadcast %get3A_61 : f32 to vector<16x1xf32>
    %add3A_63 = arith.addf %broadcast_in_dim3A_57, %add3A_62 : vector<16x1xf32>
    %swap3A = arith.constant 0 : index
    %swap3A_64 = arith.constant 0 : index
    %swap3A_65 = vector.load %arg7[%swap3A, %swap3A_64] : memref<16x50xf32, #tpu.memory_space<vmem>>, vector<16x50xf32>
    tpu.vector_store %arg7[%swap3A, %swap3A_64], %div3A_50 {strides = array<i32>} : memref<16x50xf32, #tpu.memory_space<vmem>>, vector<16x50xf32>,
    %neg3A = arith.constant 0.000000e+00 : f32
    %neg3A_66 = vector.broadcast %neg3A : f32 to vector<16x1xf32>
    %neg3A_67 = arith.subf %neg3A_66, %add3A_63 : vector<16x1xf32>
    %exp3A_68 = math.exp %neg3A_67 : vector<16x1xf32>
    %add3A_69 = arith.constant 1.000000e+00 : f32
    %add3A_70 = vector.broadcast %add3A_69 : f32 to vector<16x1xf32>
    %add3A_71 = arith.addf %add3A_70, %exp3A_68 : vector<16x1xf32>
    %div3A_72 = arith.constant 1.000000e+00 : f32
    %div3A_73 = vector.broadcast %div3A_72 : f32 to vector<16x1xf32>
    %div3A_74 = arith.divf %div3A_73, %add3A_71 : vector<16x1xf32>
    %swap3A_75 = arith.constant 0 : index
    %swap3A_76 = arith.constant 0 : index
    %swap3A_77 = vector.load %arg8[%swap3A_75, %swap3A_76] : memref<16x1xf32, #tpu.memory_space<vmem>>, vector<16x1xf32>
    tpu.vector_store %arg8[%swap3A_75, %swap3A_76], %div3A_74 {strides = array<i32>} : memref<16x1xf32, #tpu.memory_space<vmem>>, vector<16x1xf32>,
    return
  }
}

</mosaic_0001>

<sc_bundles>
// kernel: kernel.5.cloned.1.call-start
scs
__scs_entry_jumppad:
0x0: {  	(pc) =	sbr.rel $0x88, $3  }
0x1: {  	(tag) =	ssettag $0x0;
	lr =	simm.s32 $0x1  }
0x2: {  	[smem:$0x3F98] =	sst lr;
	_ =	strace $0xD0000000  }
0x3: {  	_ = 	snop  }
0x4: {  	_ = 	snop  }
0x5: {  	_ = 	snop  }
0x6: {  	_ = 	snop  }
0x7: {  	_ = 	snop  }
__scs_overlays_trampoline_lowered:
0x8: {  	[smem:$0x3FA7] =	sst s0  }
0x9: {  	[smem:$0x3FA8] =	sst s1  }
0xa: {  	[smem:$0x3FA9] =	sst s2  }
0xb: {  	[smem:$0x3FAA] =	sst s3  }
0xc: {  	[smem:$0x3FAB] =	sst s4  }
0xd: {  	[smem:$0x3FAC] =	sst s5  }
0xe: {  	[smem:$0x3FAD] =	sst s6  }
0xf: {  	[smem:$0x3FAE] =	sst s7  }
0x10: {  	[smem:$0x3FAF] =	sst s8  }
0x11: {  	[smem:$0x3FB0] =	sst s9;
	s0 =	simm.s32 @!p0 $0x0  }
0x12: {  	s1 =	sld [smem:$0x3F96];
	s0 =	simm.s32 @p0 $0x1  }
0x13: {  	[smem:$0x3FB1] =	sst s0;
	s0 =	simm.s32 @!p1 $0x0  }
0x14: {  	s2 =	sld [smem:$0x3F95];
	s0 =	simm.s32 @p1 $0x1  }
0x15: {  	[smem:$0x3FB2] =	sst s0;
	s0 =	simm.s32 @!p2 $0x0  }
0x16: {  	s3 =	sld [smem:$0x3FDB];
	s0 =	simm.s32 @p2 $0x1  }
0x17: {  	s4 =	simm.s32 $0x1BF5;
	[smem:$0x3FB4] =	sst s0  }
0x18: {  	s0 =	sld [smem:$0x3F97];
	_ =	swait.ge [sflag:s4], $0x0  }
0x19: {  	s7 =	sld [smem:$0x3F98]  }
0x1a: {  	s8 =	sadd.s32 $0xFFFFE003, lr  }
0x1b: {  	s9 =	sadd.s32 $0xFFFFFEF7, lr;
	s5 =	simm.s32 $0xFFFFFFFF;
	p2 =	slt.u32 s8, $0xFFFFF086  }
0x1c: {  	p1 =	slt.u32 s9, $0xF7A;
	s5 =	simm.s32 @!p2 $0x0  }
0x1d: {  	s5 =	simm.s32 @p1 $0x1;
	p0 =	seq.s32 s7, s2  }
0x1e: {  	s7 =	smul.u32 @!p0 $0xF7A, s2;
	p2 =	seq.s32 @!p0 s5, $0x0  }
0x1f: {  	s9 =	smul.u32 $0xF7A, s1;
	s8 =	simm.s32 @!p0 $0x1BF5;
	p2 =	por !p2, p0  }
0x20: {  	[sflag:s8] =	ssyncset.s32 @!p0 $0xFFFFF086;
	s6 =	sadd.s32 @!p0 s3, s7;
	s7 =	simm.s32 @!p0 $0x108  }
0x21: {  	s3 =	sadd.s32 s3, s9;
	s6 =	sadd.s32 @!p0 $0x88, s6;
	s7 =	simm.s32 @p2 $0x1082  }
0x22: {  	[simem:s7], [sflag:s8] =	dma.local @!p0 [hbm:s6], $0xF7A  }
0x23: {  	s9 =	sor.u32 $0xD0000000, s2;
	s6 =	simm.s32 $0x108;
	_ =	swait.ge @!p0 [sflag:s8], $0x0  }
0x24: {  	s3 =	sadd.s32 $0x88, s3;
	s6 =	simm.s32 @!p1 $0x1082;
	[sflag:s4] =	ssyncset.s32 $0xFFFFF086  }
0x25: {  	[simem:s6], [sflag:s4] =	dma.local [hbm:s3], $0xF7A  }
0x26: {  	[smem:$0x3F98] =	sst s1;
	(tag) =	ssettag s2;
	_ =	strace s9  }
0x27: {  	s1 =	sld [smem:$0x3FA8]  }
0x28: {  	s2 =	sld [smem:$0x3FA9]  }
0x29: {  	s4 =	sld [smem:$0x3FAB]  }
0x2a: {  	p0 =	seq.s32 s5, $0x0;
	s5 =	sld [smem:$0x3FAC]  }
0x2b: {  	s6 =	sld [smem:$0x3FAD]  }
0x2c: {  	s7 =	sld [smem:$0x3FAE]  }
0x2d: {  	s3 =	simm.s32 $0x108;
	s8 =	sld [smem:$0x3FAF]  }
0x2e: {  	s3 =	simm.s32 @!p0 $0x1082;
	s9 =	sld [smem:$0x3FB0]  }
0x2f: {  	lr =	sadd.s32 s0, s3;
	s0 =	sld [smem:$0x3FA7]  }
0x30: {  	s3 =	sld [smem:$0x3FAA]  }
0x31: {  	[smem:$0x3FB3] =	sst s10  }
0x32: {  	s10 =	sld [smem:$0x3FB1];
	_ =	sdelay $0x3  }
0x33: {  	p0 =	seq.s32 s10, $0x1;
	s10 =	sld [smem:$0x3FB3];
	_ =	sdelay $0x3  }
0x34: {  	[smem:$0x3FB3] =	sst s10  }
0x35: {  	s10 =	sld [smem:$0x3FB2];
	_ =	sdelay $0x3  }
0x36: {  	p1 =	seq.s32 s10, $0x1;
	s10 =	sld [smem:$0x3FB3];
	_ =	sdelay $0x3  }
0x37: {  	[smem:$0x3FB3] =	sst s10  }
0x38: {  	s10 =	sld [smem:$0x3FB4]  }
0x39: {  	_ = 	snop;
	(pc) =	sbr.ind lr, $3  }
0x3a: {  	_ = 	snop  }
0x3b: {  	_ = 	snop  }
0x3c: {  	p2 =	seq.s32 s10, $0x1;
	s10 =	sld [smem:$0x3FB3]  }
0x3d: {  	_ =	shalt  }
0x3e: {  	_ =	shalt  }
0x3f: {  	_ =	shalt  }
0x40: {  	_ =	shalt  }
0x41: {  	_ =	shalt  }
0x42: {  	_ =	shalt  }
0x43: {  	_ =	shalt  }
0x44: {  	_ =	shalt  }
0x45: {  	_ =	shalt  }
0x46: {  	_ =	shalt  }
0x47: {  	_ =	shalt  }
0x48: {  	_ =	shalt  }
0x49: {  	_ =	shalt  }
0x4a: {  	_ =	shalt  }
0x4b: {  	_ =	shalt  }
0x4c: {  	_ =	shalt  }
0x4d: {  	_ =	shalt  }
0x4e: {  	_ =	shalt  }
0x4f: {  	_ =	shalt  }
0x50: {  	_ =	shalt  }
0x51: {  	_ =	shalt  }
0x52: {  	_ =	shalt  }
0x53: {  	_ =	shalt  }
0x54: {  	_ =	shalt  }
0x55: {  	_ =	shalt  }
0x56: {  	_ =	shalt  }
0x57: {  	_ =	shalt  }
0x58: {  	_ =	shalt  }
0x59: {  	_ =	shalt  }
0x5a: {  	_ =	shalt  }
0x5b: {  	_ =	shalt  }
0x5c: {  	_ =	shalt  }
0x5d: {  	_ =	shalt  }
0x5e: {  	_ =	shalt  }
0x5f: {  	_ =	shalt  }
0x60: {  	_ =	shalt  }
0x61: {  	_ =	shalt  }
0x62: {  	_ =	shalt  }
0x63: {  	_ =	shalt  }
0x64: {  	_ =	shalt  }
0x65: {  	_ =	shalt  }
0x66: {  	_ =	shalt  }
0x67: {  	_ =	shalt  }
0x68: {  	_ =	shalt  }
0x69: {  	_ =	shalt  }
0x6a: {  	_ =	shalt  }
0x6b: {  	_ =	shalt  }
0x6c: {  	_ =	shalt  }
0x6d: {  	_ =	shalt  }
0x6e: {  	_ =	shalt  }
0x6f: {  	_ =	shalt  }
0x70: {  	_ =	shalt  }
0x71: {  	_ =	shalt  }
0x72: {  	_ =	shalt  }
0x73: {  	_ =	shalt  }
0x74: {  	_ =	shalt  }
0x75: {  	_ =	shalt  }
0x76: {  	_ =	shalt  }
0x77: {  	_ =	shalt  }
0x78: {  	_ =	shalt  }
0x79: {  	_ =	shalt  }
0x7a: {  	_ =	shalt  }
0x7b: {  	_ =	shalt  }
0x7c: {  	_ =	shalt  }
0x7d: {  	_ =	shalt  }
0x7e: {  	_ =	shalt  }
0x7f: {  	_ =	shalt  }
0x80: {  	_ =	shalt  }
0x81: {  	_ =	shalt  }
0x82: {  	_ =	shalt  }
0x83: {  	_ =	shalt  }
0x84: {  	_ =	shalt  }
0x85: {  	_ =	shalt  }
0x86: {  	_ =	shalt  }
0x87: {  	_ =	shalt  }
.Lfunc_end0:
.L_simem_size_0:
called_computation_lowered:
.L_overlay_start_0:
0x88: {  	s2 =	sld [smem:$0x3FD9]  }
0x89: {  	s3 =	sld [smem:$0x3FFE];
	_ =	sdelay $0x1  }
0x8a: {  	s1 =	srdreg.scid  }
0x8b: {  	s0 =	sand.u32 $0x1, s1  }
0x8c: {  	s16 =	sshll.u32 s0, $0xA;
	s2 =	sadd.s32 s3, s2  }
0x8d: {  	s2 =	sadd.s32 s2, s16  }
0x8e: {  	[smem:$0x3FBF] =	sst s2  }
0x8f: {  	_ = 	snop  }
0x90: {  	(tm) =	ssettm $0x1  }
0x91: {  	s17 =	sld [smem:$0x3FFB];
	_ =	sdelay $0x3  }
0x92: {  	_ =	strace s17  }
0x93: {  	s2 =	sld [smem:$0x3FFC];
	_ =	sdelay $0x3  }
0x94: {  	_ =	strace s2  }
0x95: {  	s2 =	sld [smem:$0x3FFD];
	_ =	sdelay $0x3  }
0x96: {  	_ =	strace s2  }
0x97: {  	_ =	strace $0x8FFFFFFF  }
0x98: {  	s18 =	sld [smem:$0x3FDB];
	_ =	sdelay $0x1  }
0x99: {  	s19 =	simm.s32 $_scs_section_size  }
0x9a: {  	s4 =	simm.s32 $_size__tile_overlayer_lowered;
	s5 =	simm.s32 $_tile_overlayer_lowered  }
0x9b: {  	s22 =	simm.s32 $0x1BFF;
	s21 =	sshll.u32 s5, $0x1;
	s2 =	sadd.s32 s19, s18  }
0x9c: {  	s6 =	simm.s32 $0x0;
	s20 =	sshll.u32 s4, $0x1;
	s4 =	sadd.s32 s21, s2  }
0x9d: {  	[timem:s6], [sflag:s22] =	dma.local [hbm:s4], s20  }
0x9e: {  	_ =	swait.ge [sflag:s22], s20  }
0x9f: {  	s3 =	ssub.s32 $0x0, s20;
	[sflag:s22] =	ssyncset.done $0x0  }
0xa0: {  	[sflag:s22] =	ssyncadd.s32 s3;
	_ =	sdelay $0x1  }
0xa1: {  	s23 =	simm.s32 $0x1B8B  }
0xa2: {  	_ =	swait.ge [sflag:s23], $0x1  }
0xa3: {  	[sflag:s23] =	ssyncset.done $0x0  }
0xa4: {  	s25 =	simm.s32 $0x1B8E;
	s24 =	sld [smem:$0x3FFE];
	[sflag:s23] =	ssyncadd.s32 $0xFFFFFFFF  }
0xa5: {  	s26 =	simm.s32 $execute0_lowered;
	[smem:$0x3FD2] =	sst s25  }
0xa6: {  	s4 =	sshll.u32 s26, $0x1;
	_ =	strace $0x80000046;
	[dreg:$0x1] =	wrdreg $0xFFFFFFFF  }
0xa7: {  	s28 =	simm.s32 $_size_execute0_lowered;
	s2 =	sadd.s32 s2, s4;
	[dreg:$0x0] =	wrdreg $0x0  }
0xa8: {  	s4 =	sshll.u32 s28, $0x1;
	[dreg:$0x2] =	wrdreg s2  }
0xa9: {  	[dreg:$0x3] =	wrdreg s4  }
0xaa: {  	[dreg:$0x4] =	wrdreg $0xC0  }
0xab: {  	_ =	task [dreg:s6], $0x5FFFF  }
0xac: {  	[dreg:$0x1] =	wrdreg $0xFFFFFFFF  }
0xad: {  	[dreg:$0x0] =	wrdreg $0x60  }
0xae: {  	[dreg:$0x2] =	wrdreg s24  }
0xaf: {  	[dreg:$0x3] =	wrdreg $0xCE400  }
0xb0: {  	[dreg:$0x4] =	wrdreg $0x9  }
0xb1: {  	_ =	task.clear_ibuf [dreg:s6], $0x5FFFF;
	_ =	strace $0x90000046  }
0xb2: {  	s29 =	simm.s32 $0x9;
	_ =	strace $0x80000048  }
0xb3: {  	_ =	swait.ge [sflag:s29], $0x1  }
0xb4: {  	[sflag:s29] =	ssyncadd.s32 $0xFFFFFFFF  }
0xb5: {  	_ =	strace $0x90000048  }
0xb6: {  	_ =	sfence  }
0xb7: {  	s30 =	sld [smem:$0x0];
	_ =	sdelay $0x2  }
0xb8: {  	s31 =	sshll.u32 s1, $0xD;
	s1 =	sshrl.u32 s1, $0x2  }
0xb9: {  	s3 =	sand.u32 $0x4000, s31;
	s1 =	sadd.s32 s1, s30  }
0xba: {  	s0 =	sor.u32 s3, s0;
	s1 =	sshll.u32 s1, $0x11  }
0xbb: {  	s0 =	sor.u32 s1, s0  }
0xbc: {  	s0 =	sadd.s32 $0x8F2B, s0  }
0xbd: {  	[sflag:s0] =	ssyncadd.remote.s32 $0x1  }
0xbe: {  	_ =	sfence.sel $0xFFFF  }
0xbf: {  	[dreg:$0x0] =	wrdreg $0xFFFFFFFF;
	(pc) =	sbr.abs _section_cstart, $3  }
0xc0: {  	[dreg:$0x1] =	wrdreg $0xFFFFFFFF  }
0xc1: {  	_ =	task.clear_ibuf [dreg:s6], $0x2FFFF;
	_ =	strace $0x9FFFFFFF  }
0xc2: {  	(tm) =	ssettm $0x7FFFFFFF  }
0xc3: {  	_ =	shalt  }
tec
execute0_lowered:
.L_overlay_start_1:
0x0: {  	(tag) =	ssettag $0x1  }
0x1: {  	s0 =	srdreg.scid;
	s1 =	rddreg [dreg:$0x0]  }
0x2: {  	s9 =	stileid.u32;
	s2 =	rddreg [dreg:$0x1];
	s4 =	simm.s32 $0x0  }
0x3: {  	s13 =	simm.s32 $0x9;
	s15 =	simm.s32 $0x64;
	s16 =	simm.s32 $0x5140  }
0x4: {  	s19 =	simm.s32 $0x6A40;
	s21 =	simm.s32 $0xBB80;
	s22 =	simm.s32 $0x1  }
0x5: {  	s23 =	simm.s32 $0x8340;
	s24 =	simm.s32 $0xC1C0;
	s28 =	simm.s32 $0xC800  }
0x6: {  	s29 =	simm.s32 $0x3;
	s30 =	simm.s32 $0x5;
	s31 =	simm.s32 $0x4  }
0x7: {  	s17 =	simm.s32 $0x8;
	s18 =	simm.s32 $0x0;
	s0 =	sand.u32 $0x1, s0  }
0x8: {  	s3 =	sshll.u32 s9, $0x1;
	[smem:$0x7FF] =	sst s4;
	s7 =	smul.u32 $0x1F40, s9  }
0x9: {  	s4 =	sadd.s32 $0xC00, s1;
	s5 =	sadd.s32 $0x14600, s1;
	s8 =	smul.u32 $0x3E800, s9  }
0xa: {  	s10 =	sadd.s32 $0x2DE00, s1;
	p0 =	sgt.u32 s9, $0x9;
	s3 =	sor.u32 s0, s3  }
0xb: {  	s6 =	smul.u32 $0x13880, s0;
	_ =	strace $0x80000047;
	s0 =	ssub.s32 $0x2, s0  }
0xc: {  	[dreg:$0x3] =	wrdreg s10;
	s3 =	smul.u32 $0x514, s3;
	s25 =	sshrl.u32 s0, $0x1  }
0xd: {  	v0 =	vimm.s32 $0x8070605;
	vm0 =	vcmask $0xF00;
	vm1 =	vcmask $0x1300;
	s8 =	sshrl.u32 s8, $0x2;
	s6 =	sadd.s32 s7, s6;
	s0 =	ssub.s32 s0, s25  }
0xe: {  	v2 =	vimm.s32 $0x2020101;
	v3 =	vimm.f32 $1.000000000e+00;
	vm2 =	vcmask $0x3700;
	s25 =	simm.s32 $0x2;
	s3 =	sadd.s32 s3, s1;
	s0 =	smax.u32 s0, $0x1  }
.Ltmp0:
0xf: {  	v5 =	vlaneseq.u32;
	vm14 =	vcmask $0x2F10;
	v6 =	vimm.s32 $0x4;
	s26 =	sadd.s32 $0x23A00, s3;
	[dreg:$0x7] =	wrdreg s0;
	(pc) =	sbr.rel .LBB2_1-.Ltmp0, $4  }
0x10: {  	vm15 =	vcmask $0x1700;
	v1 =	vunpack.c.0.s8.s32 v0;
	v4 =	vunpack.c.0.s8.s32 v2;
	s1 =	sadd.s32 s6, s1;
	s3 =	sadd.s32 $0x19600, s3;
	[dreg:$0x4] =	wrdreg s26  }
0x11: {  	v0 =	vimm.f32 $0.0e+00;
	v2 =	vsel vm2, $0x0, v3;
	v5 =	vshrl.u32 v5, $0x3;
	s6 =	sadd.s32 s8, s2;
	s1 =	sadd.s32 $0x2FE00, s1;
	[dreg:$0x5] =	wrdreg s3  }
0x12: {  	v6 =	vsel vm15, $0x3, v6;
	v0 =	vsel vm1, $0x3F800000, v0;
	v3 =	vnsel vm0, $0x3, v4;
	s0 =	sshll.u32 @!p0 s9, $0x6;
	s12 =	sshrl.u32 @!p0 s6, $0x3;
	[dreg:$0x6] =	wrdreg s1  }
0x13: {  	v1 =	vnsel vm0, $0x9, v1;
	v4 =	vimm.s32 $0x0;
	v3 =	vsel vm14, $0x2, v3;
	s11 =	sor.u32 @!p0 $0x1C09, s0;
	s26 =	simm.s32 $0x9C40;
	s1 =	simm.s32 $0x6  }
.LBB2_12:
0x14: {  	s0 =	simm.s32 $0x7  }
0x15: {  	_ =	swait.ge [sflag:s0], $0x1900  }
0x16: {  	[sflag:s0] =	ssyncset.done $0x0  }
0x17: {  	[sflag:s0] =	ssyncadd.s32 $0xFFFFE700  }
0x18: {  	_ =	swait.ge [sflag:s17], $0x1900  }
0x19: {  	[sflag:s17] =	ssyncset.done $0x0  }
0x1a: {  	[sflag:s17] =	ssyncadd.s32 $0xFFFFE700  }
0x1b: {  	[bflag:$0x0] =	sbarrier.arrive $0xFFFF  }
0x1c: {  	s0 =	rddreg [dreg:$0x6]  }
0x1d: {  	[hbm:s0], [sflag:s11] =	dma.local @!p0 [spmem:s12], $0x1F40  }
0x1e: {  	s0 =	simm.s32 @!p0 $0x9  }
0x1f: {  	_ =	swait.ge @!p0 [sflag:s0], $0x1F40  }
0x20: {  	s18 =	sadd.s32 $0x1, s18;
	s3 =	rddreg [dreg:$0x7]  }
0x21: {  	p1 =	sne.s32 s18, s3  }
.Ltmp1:
0x22: {  	_ = 	snop;
	(pc) =	sbr.rel @!p1 .LBB2_13-.Ltmp1, $3  }
0x23: {  	_ =	sdelay $0x1  }
0x24: {  	[sflag:s0] =	ssyncset.done @!p0 $0x0  }
0x25: {  	[sflag:s0] =	ssyncadd.s32 @!p0 $0xFFFFE0C0  }
.LBB2_1:
0x26: {  	s0 =	rddreg [dreg:$0x3]  }
0x27: {  	[spmem:s12], [sflag:s11] =	dma.local @!p0 [hbm:s0], $0x1F40  }
0x28: {  	s0 =	simm.s32 @!p0 $0x9  }
0x29: {  	_ =	swait.ge @!p0 [sflag:s0], $0x1F40  }
0x2a: {  	[sflag:s0] =	ssyncset.done @!p0 $0x0  }
0x2b: {  	s8 =	simm.s32 $0x0;
	s3 =	rddreg [dreg:$0x4];
	[sflag:s0] =	ssyncadd.s32 @!p0 $0xFFFFE0C0  }
0x2c: {  	[tilespmem:s8], [sflag:$0x9] =	stream.linear.gather [hbm4b:s3+s8], $0x28A0, $0x38;
	[tilespmem:$0x16A80] =	vst v63  }
0x2d: {  	_ =	swait.ge [sflag:s13], $0x28A0  }
0x2e: {  	[sflag:s13] =	ssyncset.done $0x0  }
0x2f: {  	s6 =	simm.s32 $0x28A0;
	s9 =	rddreg [dreg:$0x5];
	[sflag:s13] =	ssyncadd.s32 $0xFFFFD760  }
0x30: {  	[tilespmem:s6], [sflag:$0x9] =	stream.linear.gather [hbm4b:s9+s8], $0x28A0, $0x38;
	[tilespmem:$0x16A80] =	vst v63  }
0x31: {  	_ =	swait.ge [sflag:s13], $0x28A0  }
0x32: {  	[sflag:s13] =	ssyncset.done $0x0  }
0x33: {  	[sflag:s13] =	ssyncadd.s32 $0xFFFFD760  }
0x34: {  	[bflag:$0x0] =	sbarrier.arrive $0xFFFF  }
0x35: {  	[tilespmem:s16], [sflag:$0x1] =	stream.indirect.gather [hbm4b:s4+s15], $0x40, s8, s15, $0xb8;
	[tilespmem:$0x16A80] =	vst v63  }
0x36: {  	s10 =	simm.s32 $0xB540  }
0x37: {  	[tilespmem:s10], [sflag:$0x1] =	stream.indirect.gather [hbm4b:s5+s15], $0x10, s6, s15, $0xb8;
	[tilespmem:$0x16A80] =	vst v63  }
0x38: {  	s14 =	simm.s32 $0x68  }
0x39: {  	[tilespmem:s19], [sflag:$0x2] =	stream.indirect.gather [hbm4b:s4+s15], $0x40, s14, s15, $0xb8;
	[tilespmem:$0x16A80] =	vst v63  }
0x3a: {  	s20 =	simm.s32 $0x2908  }
0x3b: {  	[tilespmem:s21], [sflag:$0x2] =	stream.indirect.gather [hbm4b:s5+s15], $0x10, s20, s15, $0xb8;
	[tilespmem:$0x16A80] =	vst v63  }
0x3c: {  	s20 =	simm.s32 $0x0  }
.LBB2_2:
0x3d: {  	_ =	swait.ge [sflag:s22], $0x1900  }
0x3e: {  	[sflag:s22] =	ssyncset.done $0x0  }
0x3f: {  	[sflag:s22] =	ssyncadd.s32 $0xFFFFE700  }
0x40: {  	_ =	swait.ge [sflag:s22], $0x640  }
0x41: {  	[sflag:s22] =	ssyncset.done $0x0  }
0x42: {  	s7 =	simm.s32 $0x51C0;
	[sflag:s22] =	ssyncadd.s32 $0xFFFFF9C0  }
0x43: {  	v13 =	vld [tilespmem:s7+$0xFFFFFF80]  }
0x44: {  	s0 =	simm.s32 $0xB560;
	v17 =	vld [tilespmem:s7+$0x0]  }
0x45: {  	v7 =	vld [tilespmem:s0+$0x0]  }
0x46: {  	v16 =	vld [tilespmem:s7+$0xFFFFFFC0]  }
0x47: {  	v8 =	vld [tilespmem:s0+$0xFFFFFFF0]  }
0x48: {  	v9 =	vld [tilespmem:s0+$0xFFFFFFE0];
	_ =	sdelay $0x1  }
0x49: {  	v18 =	vld [tilespmem:s7+$0x40];
	v10 =	vadd.f32 v17, v7  }
0x4a: {  	v11 =	vld [tilespmem:s0+$0x10]  }
0x4b: {  	v12 =	vadd.f32 v16, v8;
	v14 =	vmul.f32 $2.000000030e-01, v10  }
0x4c: {  	v7 =	vperm.xlane v7, v1;
	v15 =	vadd.f32 v13, v9  }
0x4d: {  	v19 =	vmul.f32 $2.000000030e-01, v12;
	v10 =	vmax.f32 v10, v14  }
0x4e: {  	v8 =	vperm.xlane v8, v1;
	v14 =	vmul.f32 $2.000000030e-01, v15;
	v7 =	vsub.f32 v10, v7  }
0x4f: {  	v9 =	vperm.xlane v9, v1;
	v12 =	vmax.f32 v12, v19;
	v10 =	vadd.f32 v18, v11  }
0x50: {  	v8 =	vsub.f32 v12, v8;
	v14 =	vmax.f32 v15, v14;
	v7 =	vmul.f32 $1.442695020e+00, v7  }
0x51: {  	s14 =	simm.s32 $0xB5A0;
	v11 =	vperm.xlane v11, v1;
	v12 =	vmul.f32 $2.000000030e-01, v10;
	v9 =	vsub.f32 v14, v9  }
0x52: {  	v24 =	vld [tilespmem:s14+$0xFFFFFFF0];
	v8 =	vmul.f32 $1.442695020e+00, v8;
	(erf) = vpow2.f32 v7  }
0x53: {  	s6 =	simm.s32 $0x52C0;
	v31 =	vld [tilespmem:s14+$0xFFFFFFE0];
	v7 =	vmax.f32 v10, v12;
	v9 =	vmul.f32 $1.442695020e+00, v9  }
0x54: {  	v7 =	vsub.f32 v7, v11;
	(erf) = vpow2.f32 v8;
	v8 =	vld [tilespmem:s6+$0xFFFFFFC0]  }
0x55: {  	(erf) = vpow2.f32 v9;
	v9 =	vld [tilespmem:s6+$0xFFFFFF80]  }
0x56: {  	v7 =	vmul.f32 $1.442695020e+00, v7  }
0x57: {  	v27 =	vld [tilespmem:s14+$0x0]  }
0x58: {  	(erf) = vpow2.f32 v7;
	v7 =	vld [tilespmem:s6+$0x0]  }
0x59: {  	v34 =	vadd.f32 v8, v24  }
0x5a: {  	v24 =	vperm.xlane v24, v1;
	v40 =	vadd.f32 v9, v31  }
0x5b: {  	v10 =	vld [tilespmem:s7+$0x10];
	v31 =	vperm.xlane v31, v1;
	v38 =	vmul.f32 $2.000000030e-01, v34;
	v19 =	vpop (erf)  }
0x5c: {  	v55 =	vmul.f32 $2.000000030e-01, v40;
	v11 =	vperm.xlane v19, v5  }
0x5d: {  	v15 =	vld [tilespmem:s7+$0x30];
	v22 =	vpop (erf);
	v20 =	vperm.xlane v19, v6;
	v37 =	vadd.f32 v7, v27;
	v27 =	vperm.xlane v27, v1  }
0x5e: {  	v63 =	vperm.xlane v19, v3;
	v25 =	vperm.xlane v22, v5  }
0x5f: {  	v29 =	vperm.xlane v22, v3;
	v35 =	vmul.f32 v0, v22  }
0x60: {  	v23 =	vpop (erf);
	v57 =	vperm.xlane v22, v4;
	v21 =	vmul.f32 v11, v10  }
0x61: {  	v26 =	vperm.xlane v23, v4;
	v12 =	vperm.xlane v23, v6  }
0x62: {  	v32 =	vld [tilespmem:s14+$0x10];
	v28 =	vmul.f32 v0, v23;
	v20 =	vmul.f32 v20, v15  }
0x63: {  	v10 =	vld [tilespmem:s6+$0x40];
	v53 =	vmul.f32 $2.000000030e-01, v37;
	v16 =	vmul.f32 v57, v16;
	v30 =	vpop (erf)  }
0x64: {  	v34 =	vmax.f32 v34, v38;
	v13 =	vmul.f32 v26, v13;
	v11 =	vperm.xlane v30, v6  }
0x65: {  	v24 =	vsub.f32 v34, v24;
	v26 =	vld [tilespmem:s7+$0x60];
	v33 =	vperm.xlane v30, v3;
	v36 =	vmul.f32 v0, v30  }
0x66: {  	v39 =	vperm.xlane v30, v4;
	v15 =	vperm.xlane v30, v5;
	v30 =	vmax.f32 v37, v53  }
0x67: {  	v14 =	vperm.xlane v23, v3;
	v24 =	vmul.f32 $1.442695020e+00, v24;
	v27 =	vsub.f32 v30, v27  }
0x68: {  	v60 =	vld [tilespmem:s7+$0xFFFFFFD0];
	v13 =	vmul.f32 v2, v13;
	v30 =	vmul.f32 v2, v16;
	v54 =	vadd.f32 v10, v32  }
0x69: {  	v18 =	vmul.f32 v39, v18;
	v27 =	vmul.f32 $1.442695020e+00, v27  }
0x6a: {  	v26 =	vmul.f32 v33, v26;
	v56 =	vmul.f32 $2.000000030e-01, v54;
	v33 =	vmax.f32 v40, v55  }
0x6b: {  	v59 =	vld [tilespmem:s7+$0xFFFFFFE0];
	v32 =	vperm.xlane v32, v1;
	v31 =	vsub.f32 v33, v31;
	(erf) = vpow2.f32 v27  }
0x6c: {  	[tilespmem:s7+$0x10] =	vst v21;
	v16 =	vld [tilespmem:s7+$0x50];
	v13 =	vadd.f32 v28, v13;
	v18 =	vmul.f32 v2, v18;
	v58 =	vmax.f32 v54, v56  }
0x6d: {  	v25 =	vmul.f32 v25, v60;
	v27 =	vld [tilespmem:s7+$0xFFFFFF90];
	[tilespmem:s7+$0x60] =	vst v26;
	v21 =	vsub.f32 v58, v32;
	v26 =	vmul.f32 $1.442695020e+00, v31  }
0x6e: {  	[tilespmem:s7+$0xFFFFFF80] =	vst v13;
	v13 =	vperm.xlane v19, v4;
	v18 =	vadd.f32 v36, v18;
	(erf) = vpow2.f32 v24;
	v24 =	vld [tilespmem:s7+$0x20]  }
0x6f: {  	[tilespmem:s7+$0x30] =	vst v20;
	v20 =	vmul.f32 $1.442695020e+00, v21;
	(erf) = vpow2.f32 v26;
	v26 =	vld [tilespmem:s7+$0xFFFFFFF0]  }
0x70: {  	v61 =	vadd.f32 v35, v30;
	v13 =	vmul.f32 v13, v17;
	[tilespmem:s7+$0x40] =	vst v18;
	v18 =	vld [tilespmem:s7+$0xFFFFFFB0];
	v21 =	vperm.xlane v23, v5  }
0x71: {  	[tilespmem:s7+$0xFFFFFFD0] =	vst v25;
	v23 =	vmul.f32 v29, v59;
	(erf) = vpow2.f32 v20;
	v20 =	vld [tilespmem:s7+$0xFFFFFFA0]  }
0x72: {  	v62 =	vperm.xlane v22, v6;
	[tilespmem:s7+$0xFFFFFFC0] =	vst v61;
	v27 =	vmul.f32 v21, v27;
	v21 =	vld [tilespmem:s6+$0x10]  }
0x73: {  	v22 =	vmul.f32 v0, v19;
	v19 =	vld [tilespmem:s7+$0x70];
	[tilespmem:s7+$0xFFFFFFE0] =	vst v23;
	v23 =	vmul.f32 v2, v13  }
0x74: {  	s8 =	simm.s32 $0x4;
	s9 =	simm.s32 $0xB5E0;
	s3 =	simm.s32 $0x53C0;
	v17 =	vld [tilespmem:s6+$0x30];
	v24 =	vmul.f32 v63, v24;
	[tilespmem:s7+$0xFFFFFF90] =	vst v27;
	v13 =	vpop (erf);
	v25 =	vmul.f32 v62, v26  }
.LBB2_3:
0x75: {  	v26 =	vld [tilespmem:s3+$0xFFFFFF80];
	s8 =	sadd.s32 $0x4, s8;
	v29 =	vperm.xlane v13, v5;
	v28 =	vperm.xlane v13, v6;
	v22 =	vadd.f32 v22, v23  }
0x76: {  	v12 =	vmul.f32 v12, v18;
	v23 =	vld [tilespmem:s3+$0xFFFFFFC0];
	p1 =	slt.u32 s8, $0x60;
	v20 =	vmul.f32 v14, v20;
	[tilespmem:s7+$0xFFFFFFF0] =	vst v25  }
0x77: {  	v14 =	vmul.f32 v15, v16;
	v25 =	vld [tilespmem:s3+$0x0];
	v18 =	vmul.f32 v29, v21;
	v27 =	vpop (erf);
	[tilespmem:s7+$0x20] =	vst v24  }
0x78: {  	v16 =	vld [tilespmem:s3+$0x40];
	v21 =	vperm.xlane v27, v5;
	v24 =	vpop (erf);
	[tilespmem:s7+$0xFFFFFFB0] =	vst v12;
	v11 =	vmul.f32 v11, v19  }
0x79: {  	v15 =	vld [tilespmem:s9+$0xFFFFFFF0];
	v19 =	vperm.xlane v24, v4;
	v12 =	vperm.xlane v24, v6;
	[tilespmem:s7+$0x50] =	vst v14  }
0x7a: {  	v31 =	vperm.xlane v27, v3;
	v30 =	vmul.f32 v0, v24;
	v29 =	vld [tilespmem:s9+$0x0];
	v32 =	vpop (erf);
	[tilespmem:s7+$0x70] =	vst v11  }
0x7b: {  	v14 =	vperm.xlane v24, v3;
	v33 =	vld [tilespmem:s9+$0xFFFFFFE0];
	v11 =	vperm.xlane v32, v6;
	[tilespmem:s7+$0xFFFFFFA0] =	vst v20  }
0x7c: {  	v17 =	vmul.f32 v28, v17;
	v28 =	vperm.xlane v32, v3;
	v20 =	vld [tilespmem:s9+$0x10];
	[tilespmem:s7+$0x0] =	vst v22;
	s7 =	smov.u32 s6;
	s6 =	smov.u32 s3  }
0x7d: {  	v19 =	vmul.f32 v19, v9;
	v9 =	vmov v26;
	v22 =	vmul.f32 v0, v27;
	[tilespmem:s7+$0x10] =	vst v18;
	v18 =	vld [tilespmem:s7+$0x60]  }
0x7e: {  	v26 =	vadd.f32 v23, v15;
	v34 =	vperm.xlane v15, v1;
	[tilespmem:s7+$0x30] =	vst v17;
	v17 =	vmul.f32 v0, v32  }
0x7f: {  	v36 =	vperm.xlane v32, v4;
	v35 =	vadd.f32 v25, v29;
	v29 =	vperm.xlane v29, v1  }
0x80: {  	v15 =	vperm.xlane v32, v5;
	v37 =	vadd.f32 v9, v33;
	v38 =	vmul.f32 $2.000000030e-01, v26  }
0x81: {  	v19 =	vmul.f32 v2, v19;
	v32 =	vmul.f32 $2.000000030e-01, v35;
	v39 =	vadd.f32 v16, v20  }
0x82: {  	v40 =	vmul.f32 $2.000000030e-01, v37;
	v26 =	vmax.f32 v26, v38;
	v18 =	vmul.f32 v28, v18  }
0x83: {  	v28 =	vperm.xlane v33, v1;
	v32 =	vmax.f32 v35, v32;
	v33 =	vmul.f32 $2.000000030e-01, v39  }
0x84: {  	v35 =	vmax.f32 v37, v40;
	v29 =	vsub.f32 v32, v29;
	v32 =	vperm.xlane v27, v4;
	[tilespmem:s7+$0x60] =	vst v18  }
0x85: {  	v20 =	vperm.xlane v20, v1;
	v18 =	vsub.f32 v26, v34;
	v26 =	vmax.f32 v39, v33  }
0x86: {  	v19 =	vadd.f32 v30, v19;
	v33 =	vmul.f32 v36, v10;
	v10 =	vmovc v16;
	v29 =	vmul.f32 $1.442695020e+00, v29;
	v30 =	vld [tilespmem:s7+$0xFFFFFFE0]  }
0x87: {  	v16 =	vsub.f32 v35, v28;
	v18 =	vmul.f32 $1.442695020e+00, v18;
	v32 =	vmul.f32 v32, v8;
	v8 =	vmovc v23;
	v28 =	vld [tilespmem:s7+$0xFFFFFFD0]  }
0x88: {  	v20 =	vsub.f32 v26, v20;
	(erf) = vpow2.f32 v29;
	v23 =	vld [tilespmem:s7+$0xFFFFFF90];
	[tilespmem:s7+$0xFFFFFF80] =	vst v19;
	v19 =	vmul.f32 v2, v33  }
0x89: {  	v26 =	vmul.f32 $1.442695020e+00, v16;
	v29 =	vmul.f32 v2, v32  }
0x8a: {  	v24 =	vperm.xlane v24, v5;
	v20 =	vmul.f32 $1.442695020e+00, v20;
	v16 =	vld [tilespmem:s7+$0x50];
	v17 =	vadd.f32 v17, v19  }
0x8b: {  	v19 =	vadd.f32 v22, v29;
	(erf) = vpow2.f32 v18;
	v22 =	vmul.f32 v31, v30;
	v29 =	vld [tilespmem:s7+$0x20]  }
0x8c: {  	v30 =	vperm.xlane v13, v4;
	(erf) = vpow2.f32 v26;
	v26 =	vld [tilespmem:s7+$0xFFFFFFF0];
	[tilespmem:s7+$0x40] =	vst v17  }
.Ltmp2:
0x8d: {  	v18 =	vld [tilespmem:s7+$0xFFFFFFB0];
	v17 =	vmul.f32 v24, v23;
	v24 =	vmul.f32 v21, v28;
	[tilespmem:s7+$0xFFFFFFE0] =	vst v22;
	(pc) =	sbr.rel @p1 .LBB2_3-.Ltmp2, $4  }
0x8e: {  	(erf) = vpow2.f32 v20;
	v20 =	vld [tilespmem:s7+$0xFFFFFFA0];
	[tilespmem:s7+$0xFFFFFFC0] =	vst v19;
	v19 =	vmul.f32 v30, v7;
	v7 =	vmov v25  }
0x8f: {  	v25 =	vperm.xlane v27, v6;
	v27 =	vperm.xlane v13, v3;
	v21 =	vld [tilespmem:s3+$0x10];
	[tilespmem:s7+$0xFFFFFF90] =	vst v17  }
0x90: {  	v22 =	vmul.f32 v0, v13;
	v23 =	vmul.f32 v2, v19;
	v19 =	vld [tilespmem:s7+$0x70]  }
0x91: {  	s9 =	sadd.s32 $0x40, s9;
	s3 =	sadd.s32 $0x100, s3;
	v17 =	vld [tilespmem:s6+$0x30];
	v13 =	vpop (erf);
	[tilespmem:s7+$0xFFFFFFD0] =	vst v24;
	v25 =	vmul.f32 v25, v26;
	v24 =	vmul.f32 v27, v29  }
0x92: {  	_ = 	snop  }
0x93: {  	v26 =	vperm.xlane v13, v5  }
0x94: {  	v27 =	vperm.xlane v13, v6;
	v12 =	vmul.f32 v12, v18  }
0x95: {  	v15 =	vmul.f32 v15, v16;
	v14 =	vmul.f32 v14, v20;
	[tilespmem:s7+$0xFFFFFFF0] =	vst v25;
	v20 =	vpop (erf)  }
0x96: {  	[tilespmem:s7+$0x20] =	vst v24;
	v18 =	vmul.f32 v26, v21;
	v21 =	vld [tilespmem:s6+$0x60];
	v25 =	vpop (erf);
	v11 =	vmul.f32 v11, v19  }
0x97: {  	[tilespmem:s7+$0xFFFFFFA0] =	vst v14;
	v14 =	vperm.xlane v20, v4;
	v19 =	vperm.xlane v25, v4;
	v24 =	vpop (erf)  }
0x98: {  	v22 =	vadd.f32 v22, v23;
	[tilespmem:s7+$0x50] =	vst v15;
	v15 =	vmul.f32 v27, v17;
	v17 =	vperm.xlane v24, v4  }
0x99: {  	[tilespmem:s7+$0xFFFFFFB0] =	vst v12;
	v26 =	vperm.xlane v24, v3;
	v9 =	vmul.f32 v19, v9  }
0x9a: {  	[tilespmem:s7+$0x0] =	vst v22;
	v12 =	vmul.f32 v0, v25;
	v19 =	vld [tilespmem:s6+$0xFFFFFFE0];
	v10 =	vmul.f32 v17, v10  }
0x9b: {  	[tilespmem:s7+$0x70] =	vst v11;
	v11 =	vmul.f32 v26, v21;
	v9 =	vmul.f32 v2, v9  }
0x9c: {  	[tilespmem:s6+$0x10] =	vst v18;
	v17 =	vmul.f32 v0, v24;
	v10 =	vmul.f32 v2, v10  }
0x9d: {  	v22 =	vperm.xlane v20, v3;
	v8 =	vmul.f32 v14, v8;
	[tilespmem:s6+$0x60] =	vst v11;
	v11 =	vld [tilespmem:s6+$0xFFFFFF90];
	v9 =	vadd.f32 v12, v9  }
0x9e: {  	v16 =	vperm.xlane v20, v5;
	v18 =	vmul.f32 v0, v20;
	[tilespmem:s6+$0x30] =	vst v15;
	v21 =	vld [tilespmem:s6+$0xFFFFFFD0];
	v10 =	vadd.f32 v17, v10  }
0x9f: {  	v15 =	vld [tilespmem:s6+$0xFFFFFFF0];
	v8 =	vmul.f32 v2, v8;
	[tilespmem:s6+$0xFFFFFF80] =	vst v9;
	v17 =	vmul.f32 v22, v19  }
0xa0: {  	v14 =	vperm.xlane v25, v6;
	v9 =	vperm.xlane v25, v5;
	v19 =	vld [tilespmem:s6+$0x20];
	[tilespmem:s6+$0x40] =	vst v10  }
0xa1: {  	v23 =	vperm.xlane v24, v6;
	v8 =	vadd.f32 v18, v8;
	v10 =	vld [tilespmem:s6+$0xFFFFFFB0];
	[tilespmem:s6+$0xFFFFFFE0] =	vst v17;
	v17 =	vperm.xlane v20, v6  }
0xa2: {  	v12 =	vld [tilespmem:s6+$0x50];
	v20 =	vperm.xlane v13, v4;
	v9 =	vmul.f32 v9, v11  }
0xa3: {  	[tilespmem:s6+$0xFFFFFFC0] =	vst v8;
	v8 =	vperm.xlane v13, v3;
	v16 =	vmul.f32 v16, v21;
	v11 =	vld [tilespmem:s6+$0xFFFFFFA0]  }
0xa4: {  	v18 =	vld [tilespmem:s6+$0x70];
	v7 =	vmul.f32 v20, v7;
	[tilespmem:s6+$0xFFFFFF90] =	vst v9;
	v9 =	vmul.f32 v17, v15  }
0xa5: {  	[tilespmem:s6+$0xFFFFFFD0] =	vst v16;
	v15 =	vperm.xlane v24, v5;
	v8 =	vmul.f32 v8, v19  }
0xa6: {  	v22 =	vperm.xlane v25, v3;
	v10 =	vmul.f32 v14, v10;
	[tilespmem:s6+$0xFFFFFFF0] =	vst v9  }
0xa7: {  	v7 =	vmul.f32 v2, v7;
	[tilespmem:s6+$0x20] =	vst v8;
	v8 =	vmul.f32 v15, v12  }
0xa8: {  	v9 =	vmul.f32 v0, v13;
	v11 =	vmul.f32 v22, v11;
	[tilespmem:s6+$0xFFFFFFB0] =	vst v10  }
0xa9: {  	s0 =	smul.u32 $0x680, s20;
	v10 =	vmul.f32 v23, v18;
	[tilespmem:s6+$0x50] =	vst v8  }
0xaa: {  	v7 =	vadd.f32 v9, v7;
	[tilespmem:s6+$0xFFFFFFA0] =	vst v11  }
0xab: {  	s14 =	sshra.s32 s0, $0x2;
	[tilespmem:s6+$0x70] =	vst v10  }
0xac: {  	p1 =	seq.s32 s20, $0x0;
	s0 =	sadd.s32 $0x28A0, s14;
	[tilespmem:s6+$0x0] =	vst v7  }
0xad: {  	[spmem:s2] =	stream.indirect.scatter.add.f32 [tilespmem:s16], [sflag:$0x5], $0x40, s0, s15, $0xb8;
	[tilespmem:$0x16A80] =	vst v63  }
0xae: {  	s7 =	sshll.u32 s20, $0x2;
	s0 =	simm.s32 @!p1 $0x7  }
0xaf: {  	s6 =	sor.u32 $0x2, s7;
	_ =	swait.ge @!p1 [sflag:s0], $0x1900  }
0xb0: {  	s3 =	smul.u32 $0x68, s6;
	[sflag:s0] =	ssyncset.done @!p1 $0x0  }
0xb1: {  	[sflag:s0] =	ssyncadd.s32 @!p1 $0xFFFFE700  }
0xb2: {  	[tilespmem:s23], [sflag:$0x3] =	stream.indirect.gather [hbm4b:s4+s15], $0x40, s3, s15, $0xb8;
	[tilespmem:$0x16A80] =	vst v63  }
0xb3: {  	s3 =	sadd.s32 $0x28A0, s3  }
0xb4: {  	[tilespmem:s24], [sflag:$0x3] =	stream.indirect.gather [hbm4b:s5+s15], $0x10, s3, s15, $0xb8;
	[tilespmem:$0x16A80] =	vst v63  }
0xb5: {  	_ =	swait.ge [sflag:s25], $0x1900  }
0xb6: {  	[sflag:s25] =	ssyncset.done $0x0  }
0xb7: {  	[sflag:s25] =	ssyncadd.s32 $0xFFFFE700  }
0xb8: {  	_ =	swait.ge [sflag:s25], $0x640  }
0xb9: {  	[sflag:s25] =	ssyncset.done $0x0  }
0xba: {  	s9 =	simm.s32 $0x6B30;
	[sflag:s25] =	ssyncadd.s32 $0xFFFFF9C0  }
0xbb: {  	v13 =	vld [tilespmem:s9+$0xFFFFFF10]  }
0xbc: {  	s8 =	simm.s32 $0xBBB0;
	v17 =	vld [tilespmem:s9+$0xFFFFFF90]  }
0xbd: {  	v7 =	vld [tilespmem:s8+$0xFFFFFFF0]  }
0xbe: {  	v16 =	vld [tilespmem:s9+$0xFFFFFF50]  }
0xbf: {  	v8 =	vld [tilespmem:s8+$0xFFFFFFE0]  }
0xc0: {  	v9 =	vld [tilespmem:s8+$0xFFFFFFD0];
	_ =	sdelay $0x1  }
0xc1: {  	v18 =	vld [tilespmem:s9+$0xFFFFFFD0];
	v10 =	vadd.f32 v17, v7  }
0xc2: {  	v11 =	vld [tilespmem:s8+$0x0]  }
0xc3: {  	v12 =	vadd.f32 v16, v8;
	v14 =	vmul.f32 $2.000000030e-01, v10  }
0xc4: {  	v7 =	vperm.xlane v7, v1;
	v15 =	vadd.f32 v13, v9  }
0xc5: {  	v19 =	vmul.f32 $2.000000030e-01, v12;
	v10 =	vmax.f32 v10, v14  }
0xc6: {  	v8 =	vperm.xlane v8, v1;
	v14 =	vmul.f32 $2.000000030e-01, v15;
	v7 =	vsub.f32 v10, v7  }
0xc7: {  	v9 =	vperm.xlane v9, v1;
	v12 =	vmax.f32 v12, v19;
	v10 =	vadd.f32 v18, v11  }
0xc8: {  	v8 =	vsub.f32 v12, v8;
	v14 =	vmax.f32 v15, v14;
	v7 =	vmul.f32 $1.442695020e+00, v7  }
0xc9: {  	s10 =	simm.s32 $0xBBF0;
	v11 =	vperm.xlane v11, v1;
	v12 =	vmul.f32 $2.000000030e-01, v10;
	v9 =	vsub.f32 v14, v9  }
0xca: {  	v24 =	vld [tilespmem:s10+$0xFFFFFFE0];
	v8 =	vmul.f32 $1.442695020e+00, v8;
	(erf) = vpow2.f32 v7  }
0xcb: {  	s8 =	simm.s32 $0x6C30;
	v31 =	vld [tilespmem:s10+$0xFFFFFFD0];
	v7 =	vmax.f32 v10, v12;
	v9 =	vmul.f32 $1.442695020e+00, v9  }
0xcc: {  	v7 =	vsub.f32 v7, v11;
	(erf) = vpow2.f32 v8;
	v8 =	vld [tilespmem:s8+$0xFFFFFF50]  }
0xcd: {  	(erf) = vpow2.f32 v9;
	v9 =	vld [tilespmem:s8+$0xFFFFFF10]  }
0xce: {  	v7 =	vmul.f32 $1.442695020e+00, v7  }
0xcf: {  	v27 =	vld [tilespmem:s10+$0xFFFFFFF0]  }
0xd0: {  	(erf) = vpow2.f32 v7;
	v7 =	vld [tilespmem:s8+$0xFFFFFF90]  }
0xd1: {  	v34 =	vadd.f32 v8, v24  }
0xd2: {  	v24 =	vperm.xlane v24, v1;
	v40 =	vadd.f32 v9, v31  }
0xd3: {  	v10 =	vld [tilespmem:s9+$0xFFFFFFA0];
	v31 =	vperm.xlane v31, v1;
	v38 =	vmul.f32 $2.000000030e-01, v34;
	v19 =	vpop (erf)  }
0xd4: {  	v55 =	vmul.f32 $2.000000030e-01, v40;
	v11 =	vperm.xlane v19, v5  }
0xd5: {  	v15 =	vld [tilespmem:s9+$0xFFFFFFC0];
	v22 =	vpop (erf);
	v20 =	vperm.xlane v19, v6;
	v37 =	vadd.f32 v7, v27;
	v27 =	vperm.xlane v27, v1  }
0xd6: {  	v63 =	vperm.xlane v19, v3;
	v25 =	vperm.xlane v22, v5  }
0xd7: {  	v29 =	vperm.xlane v22, v3;
	v35 =	vmul.f32 v0, v22  }
0xd8: {  	v23 =	vpop (erf);
	v57 =	vperm.xlane v22, v4;
	v21 =	vmul.f32 v11, v10  }
0xd9: {  	v26 =	vperm.xlane v23, v4;
	v12 =	vperm.xlane v23, v6  }
0xda: {  	v32 =	vld [tilespmem:s10+$0x0];
	v28 =	vmul.f32 v0, v23;
	v20 =	vmul.f32 v20, v15  }
0xdb: {  	v10 =	vld [tilespmem:s8+$0xFFFFFFD0];
	v53 =	vmul.f32 $2.000000030e-01, v37;
	v16 =	vmul.f32 v57, v16;
	v30 =	vpop (erf)  }
0xdc: {  	v34 =	vmax.f32 v34, v38;
	v13 =	vmul.f32 v26, v13;
	v11 =	vperm.xlane v30, v6  }
0xdd: {  	v24 =	vsub.f32 v34, v24;
	v26 =	vld [tilespmem:s9+$0xFFFFFFF0];
	v33 =	vperm.xlane v30, v3;
	v36 =	vmul.f32 v0, v30  }
0xde: {  	v39 =	vperm.xlane v30, v4;
	v15 =	vperm.xlane v30, v5;
	v30 =	vmax.f32 v37, v53  }
0xdf: {  	v14 =	vperm.xlane v23, v3;
	v24 =	vmul.f32 $1.442695020e+00, v24;
	v27 =	vsub.f32 v30, v27  }
0xe0: {  	v60 =	vld [tilespmem:s9+$0xFFFFFF60];
	v13 =	vmul.f32 v2, v13;
	v30 =	vmul.f32 v2, v16;
	v54 =	vadd.f32 v10, v32  }
0xe1: {  	v18 =	vmul.f32 v39, v18;
	v27 =	vmul.f32 $1.442695020e+00, v27  }
0xe2: {  	v26 =	vmul.f32 v33, v26;
	v56 =	vmul.f32 $2.000000030e-01, v54;
	v33 =	vmax.f32 v40, v55  }
0xe3: {  	v59 =	vld [tilespmem:s9+$0xFFFFFF70];
	v32 =	vperm.xlane v32, v1;
	v31 =	vsub.f32 v33, v31;
	(erf) = vpow2.f32 v27  }
0xe4: {  	[tilespmem:s9+$0xFFFFFFA0] =	vst v21;
	v16 =	vld [tilespmem:s9+$0xFFFFFFE0];
	v13 =	vadd.f32 v28, v13;
	v18 =	vmul.f32 v2, v18;
	v58 =	vmax.f32 v54, v56  }
0xe5: {  	v25 =	vmul.f32 v25, v60;
	v27 =	vld [tilespmem:s9+$0xFFFFFF20];
	[tilespmem:s9+$0xFFFFFFF0] =	vst v26;
	v21 =	vsub.f32 v58, v32;
	v26 =	vmul.f32 $1.442695020e+00, v31  }
0xe6: {  	[tilespmem:s9+$0xFFFFFF10] =	vst v13;
	v13 =	vperm.xlane v19, v4;
	v18 =	vadd.f32 v36, v18;
	(erf) = vpow2.f32 v24;
	v24 =	vld [tilespmem:s9+$0xFFFFFFB0]  }
0xe7: {  	[tilespmem:s9+$0xFFFFFFC0] =	vst v20;
	v20 =	vmul.f32 $1.442695020e+00, v21;
	(erf) = vpow2.f32 v26;
	v26 =	vld [tilespmem:s9+$0xFFFFFF80]  }
0xe8: {  	v61 =	vadd.f32 v35, v30;
	v13 =	vmul.f32 v13, v17;
	[tilespmem:s9+$0xFFFFFFD0] =	vst v18;
	v18 =	vld [tilespmem:s9+$0xFFFFFF40];
	v21 =	vperm.xlane v23, v5  }
0xe9: {  	[tilespmem:s9+$0xFFFFFF60] =	vst v25;
	v23 =	vmul.f32 v29, v59;
	(erf) = vpow2.f32 v20;
	v20 =	vld [tilespmem:s9+$0xFFFFFF30]  }
0xea: {  	v62 =	vperm.xlane v22, v6;
	[tilespmem:s9+$0xFFFFFF50] =	vst v61;
	v27 =	vmul.f32 v21, v27;
	v21 =	vld [tilespmem:s8+$0xFFFFFFA0]  }
0xeb: {  	v22 =	vmul.f32 v0, v19;
	v19 =	vld [tilespmem:s9+$0x0];
	[tilespmem:s9+$0xFFFFFF70] =	vst v23;
	v23 =	vmul.f32 v2, v13  }
0xec: {  	s0 =	simm.s32 $0x6D30;
	s3 =	simm.s32 $0xBC30;
	s10 =	simm.s32 $0x4;
	v17 =	vld [tilespmem:s8+$0xFFFFFFC0];
	v24 =	vmul.f32 v63, v24;
	[tilespmem:s9+$0xFFFFFF20] =	vst v27;
	v13 =	vpop (erf);
	v25 =	vmul.f32 v62, v26  }
.LBB2_5:
0xed: {  	v26 =	vld [tilespmem:s0+$0xFFFFFF10];
	s10 =	sadd.s32 $0x4, s10;
	v29 =	vperm.xlane v13, v5;
	v28 =	vperm.xlane v13, v6;
	v22 =	vadd.f32 v22, v23  }
0xee: {  	v12 =	vmul.f32 v12, v18;
	v23 =	vld [tilespmem:s0+$0xFFFFFF50];
	p2 =	slt.u32 s10, $0x60;
	v20 =	vmul.f32 v14, v20;
	[tilespmem:s9+$0xFFFFFF80] =	vst v25  }
0xef: {  	v14 =	vmul.f32 v15, v16;
	v25 =	vld [tilespmem:s0+$0xFFFFFF90];
	v18 =	vmul.f32 v29, v21;
	v27 =	vpop (erf);
	[tilespmem:s9+$0xFFFFFFB0] =	vst v24  }
0xf0: {  	v16 =	vld [tilespmem:s0+$0xFFFFFFD0];
	v21 =	vperm.xlane v27, v5;
	v24 =	vpop (erf);
	[tilespmem:s9+$0xFFFFFF40] =	vst v12;
	v11 =	vmul.f32 v11, v19  }
0xf1: {  	v15 =	vld [tilespmem:s3+$0xFFFFFFE0];
	v19 =	vperm.xlane v24, v4;
	v12 =	vperm.xlane v24, v6;
	[tilespmem:s9+$0xFFFFFFE0] =	vst v14  }
0xf2: {  	v31 =	vperm.xlane v27, v3;
	v30 =	vmul.f32 v0, v24;
	v29 =	vld [tilespmem:s3+$0xFFFFFFF0];
	v32 =	vpop (erf);
	[tilespmem:s9+$0x0] =	vst v11  }
0xf3: {  	v14 =	vperm.xlane v24, v3;
	v33 =	vld [tilespmem:s3+$0xFFFFFFD0];
	v11 =	vperm.xlane v32, v6;
	[tilespmem:s9+$0xFFFFFF30] =	vst v20  }
0xf4: {  	v17 =	vmul.f32 v28, v17;
	v28 =	vperm.xlane v32, v3;
	v20 =	vld [tilespmem:s3+$0x0];
	[tilespmem:s9+$0xFFFFFF90] =	vst v22;
	s9 =	smov.u32 s8;
	s8 =	smov.u32 s0  }
0xf5: {  	v19 =	vmul.f32 v19, v9;
	v9 =	vmov v26;
	v22 =	vmul.f32 v0, v27;
	[tilespmem:s9+$0xFFFFFFA0] =	vst v18;
	v18 =	vld [tilespmem:s9+$0xFFFFFFF0]  }
0xf6: {  	v26 =	vadd.f32 v23, v15;
	v34 =	vperm.xlane v15, v1;
	[tilespmem:s9+$0xFFFFFFC0] =	vst v17;
	v17 =	vmul.f32 v0, v32  }
0xf7: {  	v36 =	vperm.xlane v32, v4;
	v35 =	vadd.f32 v25, v29;
	v29 =	vperm.xlane v29, v1  }
0xf8: {  	v15 =	vperm.xlane v32, v5;
	v37 =	vadd.f32 v9, v33;
	v38 =	vmul.f32 $2.000000030e-01, v26  }
0xf9: {  	v19 =	vmul.f32 v2, v19;
	v32 =	vmul.f32 $2.000000030e-01, v35;
	v39 =	vadd.f32 v16, v20  }
0xfa: {  	v40 =	vmul.f32 $2.000000030e-01, v37;
	v26 =	vmax.f32 v26, v38;
	v18 =	vmul.f32 v28, v18  }
0xfb: {  	v28 =	vperm.xlane v33, v1;
	v32 =	vmax.f32 v35, v32;
	v33 =	vmul.f32 $2.000000030e-01, v39  }
0xfc: {  	v35 =	vmax.f32 v37, v40;
	v29 =	vsub.f32 v32, v29;
	v32 =	vperm.xlane v27, v4;
	[tilespmem:s9+$0xFFFFFFF0] =	vst v18  }
0xfd: {  	v20 =	vperm.xlane v20, v1;
	v18 =	vsub.f32 v26, v34;
	v26 =	vmax.f32 v39, v33  }
0xfe: {  	v19 =	vadd.f32 v30, v19;
	v33 =	vmul.f32 v36, v10;
	v10 =	vmovc v16;
	v29 =	vmul.f32 $1.442695020e+00, v29;
	v30 =	vld [tilespmem:s9+$0xFFFFFF70]  }
0xff: {  	v16 =	vsub.f32 v35, v28;
	v18 =	vmul.f32 $1.442695020e+00, v18;
	v32 =	vmul.f32 v32, v8;
	v8 =	vmovc v23;
	v28 =	vld [tilespmem:s9+$0xFFFFFF60]  }
0x100: {  	v20 =	vsub.f32 v26, v20;
	(erf) = vpow2.f32 v29;
	v23 =	vld [tilespmem:s9+$0xFFFFFF20];
	[tilespmem:s9+$0xFFFFFF10] =	vst v19;
	v19 =	vmul.f32 v2, v33  }
0x101: {  	v26 =	vmul.f32 $1.442695020e+00, v16;
	v29 =	vmul.f32 v2, v32  }
0x102: {  	v24 =	vperm.xlane v24, v5;
	v20 =	vmul.f32 $1.442695020e+00, v20;
	v16 =	vld [tilespmem:s9+$0xFFFFFFE0];
	v17 =	vadd.f32 v17, v19  }
0x103: {  	v19 =	vadd.f32 v22, v29;
	(erf) = vpow2.f32 v18;
	v22 =	vmul.f32 v31, v30;
	v29 =	vld [tilespmem:s9+$0xFFFFFFB0]  }
0x104: {  	v30 =	vperm.xlane v13, v4;
	(erf) = vpow2.f32 v26;
	v26 =	vld [tilespmem:s9+$0xFFFFFF80];
	[tilespmem:s9+$0xFFFFFFD0] =	vst v17  }
.Ltmp3:
0x105: {  	v18 =	vld [tilespmem:s9+$0xFFFFFF40];
	v17 =	vmul.f32 v24, v23;
	v24 =	vmul.f32 v21, v28;
	[tilespmem:s9+$0xFFFFFF70] =	vst v22;
	(pc) =	sbr.rel @p2 .LBB2_5-.Ltmp3, $4  }
0x106: {  	(erf) = vpow2.f32 v20;
	v20 =	vld [tilespmem:s9+$0xFFFFFF30];
	[tilespmem:s9+$0xFFFFFF50] =	vst v19;
	v19 =	vmul.f32 v30, v7;
	v7 =	vmov v25  }
0x107: {  	v25 =	vperm.xlane v27, v6;
	v27 =	vperm.xlane v13, v3;
	v21 =	vld [tilespmem:s0+$0xFFFFFFA0];
	[tilespmem:s9+$0xFFFFFF20] =	vst v17  }
0x108: {  	v22 =	vmul.f32 v0, v13;
	v23 =	vmul.f32 v2, v19;
	v19 =	vld [tilespmem:s9+$0x0]  }
0x109: {  	s3 =	sadd.s32 $0x40, s3;
	s0 =	sadd.s32 $0x100, s0;
	v17 =	vld [tilespmem:s8+$0xFFFFFFC0];
	v13 =	vpop (erf);
	[tilespmem:s9+$0xFFFFFF60] =	vst v24;
	v25 =	vmul.f32 v25, v26;
	v24 =	vmul.f32 v27, v29  }
0x10a: {  	_ = 	snop  }
0x10b: {  	v26 =	vperm.xlane v13, v5  }
0x10c: {  	v27 =	vperm.xlane v13, v6;
	v12 =	vmul.f32 v12, v18  }
0x10d: {  	v15 =	vmul.f32 v15, v16;
	v14 =	vmul.f32 v14, v20;
	[tilespmem:s9+$0xFFFFFF80] =	vst v25;
	v20 =	vpop (erf)  }
0x10e: {  	[tilespmem:s9+$0xFFFFFFB0] =	vst v24;
	v18 =	vmul.f32 v26, v21;
	v21 =	vld [tilespmem:s8+$0xFFFFFFF0];
	v25 =	vpop (erf);
	v11 =	vmul.f32 v11, v19  }
0x10f: {  	[tilespmem:s9+$0xFFFFFF30] =	vst v14;
	v14 =	vperm.xlane v20, v4;
	v19 =	vperm.xlane v25, v4;
	v24 =	vpop (erf)  }
0x110: {  	v22 =	vadd.f32 v22, v23;
	[tilespmem:s9+$0xFFFFFFE0] =	vst v15;
	v15 =	vmul.f32 v27, v17;
	v17 =	vperm.xlane v24, v4  }
0x111: {  	[tilespmem:s9+$0xFFFFFF40] =	vst v12;
	v26 =	vperm.xlane v24, v3;
	v9 =	vmul.f32 v19, v9  }
0x112: {  	[tilespmem:s9+$0xFFFFFF90] =	vst v22;
	v12 =	vmul.f32 v0, v25;
	v19 =	vld [tilespmem:s8+$0xFFFFFF70];
	v10 =	vmul.f32 v17, v10  }
0x113: {  	[tilespmem:s9+$0x0] =	vst v11;
	v11 =	vmul.f32 v26, v21;
	v9 =	vmul.f32 v2, v9  }
0x114: {  	[tilespmem:s8+$0xFFFFFFA0] =	vst v18;
	v17 =	vmul.f32 v0, v24;
	v10 =	vmul.f32 v2, v10  }
0x115: {  	v22 =	vperm.xlane v20, v3;
	v8 =	vmul.f32 v14, v8;
	[tilespmem:s8+$0xFFFFFFF0] =	vst v11;
	v11 =	vld [tilespmem:s8+$0xFFFFFF20];
	v9 =	vadd.f32 v12, v9  }
0x116: {  	v16 =	vperm.xlane v20, v5;
	v18 =	vmul.f32 v0, v20;
	[tilespmem:s8+$0xFFFFFFC0] =	vst v15;
	v21 =	vld [tilespmem:s8+$0xFFFFFF60];
	v10 =	vadd.f32 v17, v10  }
0x117: {  	v15 =	vld [tilespmem:s8+$0xFFFFFF80];
	v8 =	vmul.f32 v2, v8;
	[tilespmem:s8+$0xFFFFFF10] =	vst v9;
	v17 =	vmul.f32 v22, v19  }
0x118: {  	v14 =	vperm.xlane v25, v6;
	v9 =	vperm.xlane v25, v5;
	v19 =	vld [tilespmem:s8+$0xFFFFFFB0];
	[tilespmem:s8+$0xFFFFFFD0] =	vst v10  }
0x119: {  	v23 =	vperm.xlane v24, v6;
	v8 =	vadd.f32 v18, v8;
	v10 =	vld [tilespmem:s8+$0xFFFFFF40];
	[tilespmem:s8+$0xFFFFFF70] =	vst v17;
	v17 =	vperm.xlane v20, v6  }
0x11a: {  	v12 =	vld [tilespmem:s8+$0xFFFFFFE0];
	v20 =	vperm.xlane v13, v4;
	v9 =	vmul.f32 v9, v11  }
0x11b: {  	[tilespmem:s8+$0xFFFFFF50] =	vst v8;
	v8 =	vperm.xlane v13, v3;
	v16 =	vmul.f32 v16, v21;
	v11 =	vld [tilespmem:s8+$0xFFFFFF30]  }
0x11c: {  	v18 =	vld [tilespmem:s8+$0x0];
	v7 =	vmul.f32 v20, v7;
	[tilespmem:s8+$0xFFFFFF20] =	vst v9;
	v9 =	vmul.f32 v17, v15  }
0x11d: {  	[tilespmem:s8+$0xFFFFFF60] =	vst v16;
	v15 =	vperm.xlane v24, v5;
	v8 =	vmul.f32 v8, v19  }
0x11e: {  	v22 =	vperm.xlane v25, v3;
	v10 =	vmul.f32 v14, v10;
	[tilespmem:s8+$0xFFFFFF80] =	vst v9  }
0x11f: {  	v7 =	vmul.f32 v2, v7;
	[tilespmem:s8+$0xFFFFFFB0] =	vst v8;
	v8 =	vmul.f32 v15, v12  }
0x120: {  	v9 =	vmul.f32 v0, v13;
	v11 =	vmul.f32 v22, v11;
	[tilespmem:s8+$0xFFFFFF40] =	vst v10  }
0x121: {  	v10 =	vmul.f32 v23, v18;
	[tilespmem:s8+$0xFFFFFFE0] =	vst v8  }
0x122: {  	v7 =	vadd.f32 v9, v7;
	[tilespmem:s8+$0xFFFFFF30] =	vst v11  }
0x123: {  	[tilespmem:s8+$0x0] =	vst v10  }
0x124: {  	s0 =	sadd.s32 $0x2908, s14;
	[tilespmem:s8+$0xFFFFFF90] =	vst v7  }
0x125: {  	[spmem:s2] =	stream.indirect.scatter.add.f32 [tilespmem:s19], [sflag:$0x6], $0x40, s0, s15, $0xb8;
	[tilespmem:$0x16A80] =	vst v63  }
0x126: {  	s0 =	simm.s32 @!p1 $0x8  }
0x127: {  	s14 =	sor.u32 $0x3, s7;
	_ =	swait.ge @!p1 [sflag:s0], $0x1900  }
0x128: {  	s3 =	smul.u32 $0x68, s14;
	[sflag:s0] =	ssyncset.done @!p1 $0x0  }
0x129: {  	[sflag:s0] =	ssyncadd.s32 @!p1 $0xFFFFE700  }
0x12a: {  	[tilespmem:s26], [sflag:$0x4] =	stream.indirect.gather [hbm4b:s4+s15], $0x40, s3, s15, $0xb8;
	[tilespmem:$0x16A80] =	vst v63  }
0x12b: {  	s8 =	sadd.s32 $0x28A0, s3  }
0x12c: {  	[tilespmem:s28], [sflag:$0x4] =	stream.indirect.gather [hbm4b:s5+s15], $0x10, s8, s15, $0xb8;
	[tilespmem:$0x16A80] =	vst v63  }
0x12d: {  	_ =	swait.ge [sflag:s29], $0x1900  }
0x12e: {  	[sflag:s29] =	ssyncset.done $0x0  }
0x12f: {  	[sflag:s29] =	ssyncadd.s32 $0xFFFFE700  }
0x130: {  	_ =	swait.ge [sflag:s29], $0x640  }
0x131: {  	[sflag:s29] =	ssyncset.done $0x0  }
0x132: {  	s8 =	simm.s32 $0x8430;
	[sflag:s29] =	ssyncadd.s32 $0xFFFFF9C0  }
0x133: {  	v13 =	vld [tilespmem:s8+$0xFFFFFF10]  }
0x134: {  	s9 =	simm.s32 $0xC1F0;
	v17 =	vld [tilespmem:s8+$0xFFFFFF90]  }
0x135: {  	v7 =	vld [tilespmem:s9+$0xFFFFFFF0]  }
0x136: {  	v16 =	vld [tilespmem:s8+$0xFFFFFF50]  }
0x137: {  	v8 =	vld [tilespmem:s9+$0xFFFFFFE0]  }
0x138: {  	v9 =	vld [tilespmem:s9+$0xFFFFFFD0];
	_ =	sdelay $0x1  }
0x139: {  	v18 =	vld [tilespmem:s8+$0xFFFFFFD0];
	v10 =	vadd.f32 v17, v7  }
0x13a: {  	v11 =	vld [tilespmem:s9+$0x0]  }
0x13b: {  	v12 =	vadd.f32 v16, v8;
	v14 =	vmul.f32 $2.000000030e-01, v10  }
0x13c: {  	v7 =	vperm.xlane v7, v1;
	v15 =	vadd.f32 v13, v9  }
0x13d: {  	v19 =	vmul.f32 $2.000000030e-01, v12;
	v10 =	vmax.f32 v10, v14  }
0x13e: {  	v8 =	vperm.xlane v8, v1;
	v14 =	vmul.f32 $2.000000030e-01, v15;
	v7 =	vsub.f32 v10, v7  }
0x13f: {  	v9 =	vperm.xlane v9, v1;
	v12 =	vmax.f32 v12, v19;
	v10 =	vadd.f32 v18, v11  }
0x140: {  	v8 =	vsub.f32 v12, v8;
	v14 =	vmax.f32 v15, v14;
	v7 =	vmul.f32 $1.442695020e+00, v7  }
0x141: {  	s10 =	simm.s32 $0xC230;
	v11 =	vperm.xlane v11, v1;
	v12 =	vmul.f32 $2.000000030e-01, v10;
	v9 =	vsub.f32 v14, v9  }
0x142: {  	v24 =	vld [tilespmem:s10+$0xFFFFFFE0];
	v8 =	vmul.f32 $1.442695020e+00, v8;
	(erf) = vpow2.f32 v7  }
0x143: {  	s7 =	simm.s32 $0x8530;
	v31 =	vld [tilespmem:s10+$0xFFFFFFD0];
	v7 =	vmax.f32 v10, v12;
	v9 =	vmul.f32 $1.442695020e+00, v9  }
0x144: {  	v7 =	vsub.f32 v7, v11;
	(erf) = vpow2.f32 v8;
	v8 =	vld [tilespmem:s7+$0xFFFFFF50]  }
0x145: {  	(erf) = vpow2.f32 v9;
	v9 =	vld [tilespmem:s7+$0xFFFFFF10]  }
0x146: {  	v7 =	vmul.f32 $1.442695020e+00, v7  }
0x147: {  	v27 =	vld [tilespmem:s10+$0xFFFFFFF0]  }
0x148: {  	(erf) = vpow2.f32 v7;
	v7 =	vld [tilespmem:s7+$0xFFFFFF90]  }
0x149: {  	v34 =	vadd.f32 v8, v24  }
0x14a: {  	v24 =	vperm.xlane v24, v1;
	v40 =	vadd.f32 v9, v31  }
0x14b: {  	v10 =	vld [tilespmem:s8+$0xFFFFFFA0];
	v31 =	vperm.xlane v31, v1;
	v38 =	vmul.f32 $2.000000030e-01, v34;
	v19 =	vpop (erf)  }
0x14c: {  	v55 =	vmul.f32 $2.000000030e-01, v40;
	v11 =	vperm.xlane v19, v5  }
0x14d: {  	v15 =	vld [tilespmem:s8+$0xFFFFFFC0];
	v22 =	vpop (erf);
	v20 =	vperm.xlane v19, v6;
	v37 =	vadd.f32 v7, v27;
	v27 =	vperm.xlane v27, v1  }
0x14e: {  	v63 =	vperm.xlane v19, v3;
	v25 =	vperm.xlane v22, v5  }
0x14f: {  	v29 =	vperm.xlane v22, v3;
	v35 =	vmul.f32 v0, v22  }
0x150: {  	v23 =	vpop (erf);
	v57 =	vperm.xlane v22, v4;
	v21 =	vmul.f32 v11, v10  }
0x151: {  	v26 =	vperm.xlane v23, v4;
	v12 =	vperm.xlane v23, v6  }
0x152: {  	v32 =	vld [tilespmem:s10+$0x0];
	v28 =	vmul.f32 v0, v23;
	v20 =	vmul.f32 v20, v15  }
0x153: {  	v10 =	vld [tilespmem:s7+$0xFFFFFFD0];
	v53 =	vmul.f32 $2.000000030e-01, v37;
	v16 =	vmul.f32 v57, v16;
	v30 =	vpop (erf)  }
0x154: {  	v34 =	vmax.f32 v34, v38;
	v13 =	vmul.f32 v26, v13;
	v11 =	vperm.xlane v30, v6  }
0x155: {  	v24 =	vsub.f32 v34, v24;
	v26 =	vld [tilespmem:s8+$0xFFFFFFF0];
	v33 =	vperm.xlane v30, v3;
	v36 =	vmul.f32 v0, v30  }
0x156: {  	v39 =	vperm.xlane v30, v4;
	v15 =	vperm.xlane v30, v5;
	v30 =	vmax.f32 v37, v53  }
0x157: {  	v14 =	vperm.xlane v23, v3;
	v24 =	vmul.f32 $1.442695020e+00, v24;
	v27 =	vsub.f32 v30, v27  }
0x158: {  	v60 =	vld [tilespmem:s8+$0xFFFFFF60];
	v13 =	vmul.f32 v2, v13;
	v30 =	vmul.f32 v2, v16;
	v54 =	vadd.f32 v10, v32  }
0x159: {  	v18 =	vmul.f32 v39, v18;
	v27 =	vmul.f32 $1.442695020e+00, v27  }
0x15a: {  	v26 =	vmul.f32 v33, v26;
	v56 =	vmul.f32 $2.000000030e-01, v54;
	v33 =	vmax.f32 v40, v55  }
0x15b: {  	v59 =	vld [tilespmem:s8+$0xFFFFFF70];
	v32 =	vperm.xlane v32, v1;
	v31 =	vsub.f32 v33, v31;
	(erf) = vpow2.f32 v27  }
0x15c: {  	[tilespmem:s8+$0xFFFFFFA0] =	vst v21;
	v16 =	vld [tilespmem:s8+$0xFFFFFFE0];
	v13 =	vadd.f32 v28, v13;
	v18 =	vmul.f32 v2, v18;
	v58 =	vmax.f32 v54, v56  }
0x15d: {  	v25 =	vmul.f32 v25, v60;
	v27 =	vld [tilespmem:s8+$0xFFFFFF20];
	[tilespmem:s8+$0xFFFFFFF0] =	vst v26;
	v21 =	vsub.f32 v58, v32;
	v26 =	vmul.f32 $1.442695020e+00, v31  }
0x15e: {  	[tilespmem:s8+$0xFFFFFF10] =	vst v13;
	v13 =	vperm.xlane v19, v4;
	v18 =	vadd.f32 v36, v18;
	(erf) = vpow2.f32 v24;
	v24 =	vld [tilespmem:s8+$0xFFFFFFB0]  }
0x15f: {  	[tilespmem:s8+$0xFFFFFFC0] =	vst v20;
	v20 =	vmul.f32 $1.442695020e+00, v21;
	(erf) = vpow2.f32 v26;
	v26 =	vld [tilespmem:s8+$0xFFFFFF80]  }
0x160: {  	v61 =	vadd.f32 v35, v30;
	v13 =	vmul.f32 v13, v17;
	[tilespmem:s8+$0xFFFFFFD0] =	vst v18;
	v18 =	vld [tilespmem:s8+$0xFFFFFF40];
	v21 =	vperm.xlane v23, v5  }
0x161: {  	[tilespmem:s8+$0xFFFFFF60] =	vst v25;
	v23 =	vmul.f32 v29, v59;
	(erf) = vpow2.f32 v20;
	v20 =	vld [tilespmem:s8+$0xFFFFFF30]  }
0x162: {  	v62 =	vperm.xlane v22, v6;
	[tilespmem:s8+$0xFFFFFF50] =	vst v61;
	v27 =	vmul.f32 v21, v27;
	v21 =	vld [tilespmem:s7+$0xFFFFFFA0]  }
0x163: {  	v22 =	vmul.f32 v0, v19;
	v19 =	vld [tilespmem:s8+$0x0];
	[tilespmem:s8+$0xFFFFFF70] =	vst v23;
	v23 =	vmul.f32 v2, v13  }
0x164: {  	s0 =	simm.s32 $0x8630;
	s3 =	simm.s32 $0xC270;
	s9 =	simm.s32 $0x4;
	v17 =	vld [tilespmem:s7+$0xFFFFFFC0];
	v24 =	vmul.f32 v63, v24;
	[tilespmem:s8+$0xFFFFFF20] =	vst v27;
	v13 =	vpop (erf);
	v25 =	vmul.f32 v62, v26  }
.LBB2_7:
0x165: {  	v26 =	vld [tilespmem:s0+$0xFFFFFF10];
	s9 =	sadd.s32 $0x4, s9;
	v29 =	vperm.xlane v13, v5;
	v28 =	vperm.xlane v13, v6;
	v22 =	vadd.f32 v22, v23  }
0x166: {  	v12 =	vmul.f32 v12, v18;
	v23 =	vld [tilespmem:s0+$0xFFFFFF50];
	p1 =	slt.u32 s9, $0x60;
	v20 =	vmul.f32 v14, v20;
	[tilespmem:s8+$0xFFFFFF80] =	vst v25  }
0x167: {  	v14 =	vmul.f32 v15, v16;
	v25 =	vld [tilespmem:s0+$0xFFFFFF90];
	v18 =	vmul.f32 v29, v21;
	v27 =	vpop (erf);
	[tilespmem:s8+$0xFFFFFFB0] =	vst v24  }
0x168: {  	v16 =	vld [tilespmem:s0+$0xFFFFFFD0];
	v21 =	vperm.xlane v27, v5;
	v24 =	vpop (erf);
	[tilespmem:s8+$0xFFFFFF40] =	vst v12;
	v11 =	vmul.f32 v11, v19  }
0x169: {  	v15 =	vld [tilespmem:s3+$0xFFFFFFE0];
	v19 =	vperm.xlane v24, v4;
	v12 =	vperm.xlane v24, v6;
	[tilespmem:s8+$0xFFFFFFE0] =	vst v14  }
0x16a: {  	v31 =	vperm.xlane v27, v3;
	v30 =	vmul.f32 v0, v24;
	v29 =	vld [tilespmem:s3+$0xFFFFFFF0];
	v32 =	vpop (erf);
	[tilespmem:s8+$0x0] =	vst v11  }
0x16b: {  	v14 =	vperm.xlane v24, v3;
	v33 =	vld [tilespmem:s3+$0xFFFFFFD0];
	v11 =	vperm.xlane v32, v6;
	[tilespmem:s8+$0xFFFFFF30] =	vst v20  }
0x16c: {  	v17 =	vmul.f32 v28, v17;
	v28 =	vperm.xlane v32, v3;
	v20 =	vld [tilespmem:s3+$0x0];
	[tilespmem:s8+$0xFFFFFF90] =	vst v22;
	s8 =	smov.u32 s7;
	s7 =	smov.u32 s0  }
0x16d: {  	v19 =	vmul.f32 v19, v9;
	v9 =	vmov v26;
	v22 =	vmul.f32 v0, v27;
	[tilespmem:s8+$0xFFFFFFA0] =	vst v18;
	v18 =	vld [tilespmem:s8+$0xFFFFFFF0]  }
0x16e: {  	v26 =	vadd.f32 v23, v15;
	v34 =	vperm.xlane v15, v1;
	[tilespmem:s8+$0xFFFFFFC0] =	vst v17;
	v17 =	vmul.f32 v0, v32  }
0x16f: {  	v36 =	vperm.xlane v32, v4;
	v35 =	vadd.f32 v25, v29;
	v29 =	vperm.xlane v29, v1  }
0x170: {  	v15 =	vperm.xlane v32, v5;
	v37 =	vadd.f32 v9, v33;
	v38 =	vmul.f32 $2.000000030e-01, v26  }
0x171: {  	v19 =	vmul.f32 v2, v19;
	v32 =	vmul.f32 $2.000000030e-01, v35;
	v39 =	vadd.f32 v16, v20  }
0x172: {  	v40 =	vmul.f32 $2.000000030e-01, v37;
	v26 =	vmax.f32 v26, v38;
	v18 =	vmul.f32 v28, v18  }
0x173: {  	v28 =	vperm.xlane v33, v1;
	v32 =	vmax.f32 v35, v32;
	v33 =	vmul.f32 $2.000000030e-01, v39  }
0x174: {  	v35 =	vmax.f32 v37, v40;
	v29 =	vsub.f32 v32, v29;
	v32 =	vperm.xlane v27, v4;
	[tilespmem:s8+$0xFFFFFFF0] =	vst v18  }
0x175: {  	v20 =	vperm.xlane v20, v1;
	v18 =	vsub.f32 v26, v34;
	v26 =	vmax.f32 v39, v33  }
0x176: {  	v19 =	vadd.f32 v30, v19;
	v33 =	vmul.f32 v36, v10;
	v10 =	vmovc v16;
	v29 =	vmul.f32 $1.442695020e+00, v29;
	v30 =	vld [tilespmem:s8+$0xFFFFFF70]  }
0x177: {  	v16 =	vsub.f32 v35, v28;
	v18 =	vmul.f32 $1.442695020e+00, v18;
	v32 =	vmul.f32 v32, v8;
	v8 =	vmovc v23;
	v28 =	vld [tilespmem:s8+$0xFFFFFF60]  }
0x178: {  	v20 =	vsub.f32 v26, v20;
	(erf) = vpow2.f32 v29;
	v23 =	vld [tilespmem:s8+$0xFFFFFF20];
	[tilespmem:s8+$0xFFFFFF10] =	vst v19;
	v19 =	vmul.f32 v2, v33  }
0x179: {  	v26 =	vmul.f32 $1.442695020e+00, v16;
	v29 =	vmul.f32 v2, v32  }
0x17a: {  	v24 =	vperm.xlane v24, v5;
	v20 =	vmul.f32 $1.442695020e+00, v20;
	v16 =	vld [tilespmem:s8+$0xFFFFFFE0];
	v17 =	vadd.f32 v17, v19  }
0x17b: {  	v19 =	vadd.f32 v22, v29;
	(erf) = vpow2.f32 v18;
	v22 =	vmul.f32 v31, v30;
	v29 =	vld [tilespmem:s8+$0xFFFFFFB0]  }
0x17c: {  	v30 =	vperm.xlane v13, v4;
	(erf) = vpow2.f32 v26;
	v26 =	vld [tilespmem:s8+$0xFFFFFF80];
	[tilespmem:s8+$0xFFFFFFD0] =	vst v17  }
.Ltmp4:
0x17d: {  	v18 =	vld [tilespmem:s8+$0xFFFFFF40];
	v17 =	vmul.f32 v24, v23;
	v24 =	vmul.f32 v21, v28;
	[tilespmem:s8+$0xFFFFFF70] =	vst v22;
	(pc) =	sbr.rel @p1 .LBB2_7-.Ltmp4, $4  }
0x17e: {  	(erf) = vpow2.f32 v20;
	v20 =	vld [tilespmem:s8+$0xFFFFFF30];
	[tilespmem:s8+$0xFFFFFF50] =	vst v19;
	v19 =	vmul.f32 v30, v7;
	v7 =	vmov v25  }
0x17f: {  	v25 =	vperm.xlane v27, v6;
	v27 =	vperm.xlane v13, v3;
	v21 =	vld [tilespmem:s0+$0xFFFFFFA0];
	[tilespmem:s8+$0xFFFFFF20] =	vst v17  }
0x180: {  	v22 =	vmul.f32 v0, v13;
	v23 =	vmul.f32 v2, v19;
	v19 =	vld [tilespmem:s8+$0x0]  }
0x181: {  	s3 =	sadd.s32 $0x40, s3;
	s0 =	sadd.s32 $0x100, s0;
	v17 =	vld [tilespmem:s7+$0xFFFFFFC0];
	v13 =	vpop (erf);
	[tilespmem:s8+$0xFFFFFF60] =	vst v24;
	v25 =	vmul.f32 v25, v26;
	v24 =	vmul.f32 v27, v29  }
0x182: {  	_ = 	snop  }
0x183: {  	v26 =	vperm.xlane v13, v5  }
0x184: {  	v27 =	vperm.xlane v13, v6;
	v12 =	vmul.f32 v12, v18  }
0x185: {  	v15 =	vmul.f32 v15, v16;
	v14 =	vmul.f32 v14, v20;
	[tilespmem:s8+$0xFFFFFF80] =	vst v25;
	v20 =	vpop (erf)  }
0x186: {  	[tilespmem:s8+$0xFFFFFFB0] =	vst v24;
	v18 =	vmul.f32 v26, v21;
	v21 =	vld [tilespmem:s7+$0xFFFFFFF0];
	v25 =	vpop (erf);
	v11 =	vmul.f32 v11, v19  }
0x187: {  	[tilespmem:s8+$0xFFFFFF30] =	vst v14;
	v14 =	vperm.xlane v20, v4;
	v19 =	vperm.xlane v25, v4;
	v24 =	vpop (erf)  }
0x188: {  	v22 =	vadd.f32 v22, v23;
	[tilespmem:s8+$0xFFFFFFE0] =	vst v15;
	v15 =	vmul.f32 v27, v17;
	v17 =	vperm.xlane v24, v4  }
0x189: {  	[tilespmem:s8+$0xFFFFFF40] =	vst v12;
	v26 =	vperm.xlane v24, v3;
	v9 =	vmul.f32 v19, v9  }
0x18a: {  	[tilespmem:s8+$0xFFFFFF90] =	vst v22;
	v12 =	vmul.f32 v0, v25;
	v19 =	vld [tilespmem:s7+$0xFFFFFF70];
	v10 =	vmul.f32 v17, v10  }
0x18b: {  	[tilespmem:s8+$0x0] =	vst v11;
	v11 =	vmul.f32 v26, v21;
	v9 =	vmul.f32 v2, v9  }
0x18c: {  	[tilespmem:s7+$0xFFFFFFA0] =	vst v18;
	v17 =	vmul.f32 v0, v24;
	v10 =	vmul.f32 v2, v10  }
0x18d: {  	v22 =	vperm.xlane v20, v3;
	v8 =	vmul.f32 v14, v8;
	[tilespmem:s7+$0xFFFFFFF0] =	vst v11;
	v11 =	vld [tilespmem:s7+$0xFFFFFF20];
	v9 =	vadd.f32 v12, v9  }
0x18e: {  	v16 =	vperm.xlane v20, v5;
	v18 =	vmul.f32 v0, v20;
	[tilespmem:s7+$0xFFFFFFC0] =	vst v15;
	v21 =	vld [tilespmem:s7+$0xFFFFFF60];
	v10 =	vadd.f32 v17, v10  }
0x18f: {  	v15 =	vld [tilespmem:s7+$0xFFFFFF80];
	v8 =	vmul.f32 v2, v8;
	[tilespmem:s7+$0xFFFFFF10] =	vst v9;
	v17 =	vmul.f32 v22, v19  }
0x190: {  	v14 =	vperm.xlane v25, v6;
	v9 =	vperm.xlane v25, v5;
	v19 =	vld [tilespmem:s7+$0xFFFFFFB0];
	[tilespmem:s7+$0xFFFFFFD0] =	vst v10  }
0x191: {  	v23 =	vperm.xlane v24, v6;
	v8 =	vadd.f32 v18, v8;
	v10 =	vld [tilespmem:s7+$0xFFFFFF40];
	[tilespmem:s7+$0xFFFFFF70] =	vst v17;
	v17 =	vperm.xlane v20, v6  }
0x192: {  	v12 =	vld [tilespmem:s7+$0xFFFFFFE0];
	v20 =	vperm.xlane v13, v4;
	v9 =	vmul.f32 v9, v11  }
0x193: {  	[tilespmem:s7+$0xFFFFFF50] =	vst v8;
	v8 =	vperm.xlane v13, v3;
	v16 =	vmul.f32 v16, v21;
	v11 =	vld [tilespmem:s7+$0xFFFFFF30]  }
0x194: {  	v18 =	vld [tilespmem:s7+$0x0];
	v7 =	vmul.f32 v20, v7;
	[tilespmem:s7+$0xFFFFFF20] =	vst v9;
	v9 =	vmul.f32 v17, v15  }
0x195: {  	[tilespmem:s7+$0xFFFFFF60] =	vst v16;
	v15 =	vperm.xlane v24, v5;
	v8 =	vmul.f32 v8, v19  }
0x196: {  	v22 =	vperm.xlane v25, v3;
	v10 =	vmul.f32 v14, v10;
	[tilespmem:s7+$0xFFFFFF80] =	vst v9  }
0x197: {  	v7 =	vmul.f32 v2, v7;
	[tilespmem:s7+$0xFFFFFFB0] =	vst v8;
	v8 =	vmul.f32 v15, v12  }
0x198: {  	v9 =	vmul.f32 v0, v13;
	v11 =	vmul.f32 v22, v11;
	[tilespmem:s7+$0xFFFFFF40] =	vst v10  }
0x199: {  	s0 =	smul.u32 $0x1A0, s6;
	v10 =	vmul.f32 v23, v18;
	[tilespmem:s7+$0xFFFFFFE0] =	vst v8  }
0x19a: {  	v7 =	vadd.f32 v9, v7;
	[tilespmem:s7+$0xFFFFFF30] =	vst v11  }
0x19b: {  	s0 =	sshra.s32 s0, $0x2;
	[tilespmem:s7+$0x0] =	vst v10  }
0x19c: {  	p1 =	seq.s32 s20, $0x18;
	s0 =	sadd.s32 $0x28A0, s0;
	[tilespmem:s7+$0xFFFFFF90] =	vst v7  }
0x19d: {  	[spmem:s2] =	stream.indirect.scatter.add.f32 [tilespmem:s23], [sflag:$0x7], $0x40, s0, s15, $0xb8;
	[tilespmem:$0x16A80] =	vst v63  }
0x19e: {  	s0 =	smul.u32 @!p1 $0x1A0, s20;
	_ =	swait.ge [sflag:s30], $0x1900  }
0x19f: {  	s6 =	simm.s32 @!p1 $0x64;
	[sflag:s30] =	ssyncset.done $0x0  }
0x1a0: {  	s7 =	simm.s32 @!p1 $0x5140;
	s3 =	sadd.s32 @!p1 $0x1A0, s0;
	[sflag:s30] =	ssyncadd.s32 $0xFFFFE700  }
0x1a1: {  	[tilespmem:s7], [sflag:$0x1] =	stream.indirect.gather @!p1 [hbm4b:s4+s6], $0x40, s3, s6, $0xb8;
	[tilespmem:$0x16A80] =	vst v63  }
0x1a2: {  	s0 =	sadd.s32 @!p1 $0x2A40, s0;
	s3 =	simm.s32 @!p1 $0xB540  }
0x1a3: {  	[tilespmem:s3], [sflag:$0x1] =	stream.indirect.gather @!p1 [hbm4b:s5+s6], $0x10, s0, s6, $0xb8;
	[tilespmem:$0x16A80] =	vst v63  }
0x1a4: {  	_ =	swait.ge [sflag:s31], $0x1900  }
0x1a5: {  	[sflag:s31] =	ssyncset.done $0x0  }
0x1a6: {  	[sflag:s31] =	ssyncadd.s32 $0xFFFFE700  }
0x1a7: {  	_ =	swait.ge [sflag:s31], $0x640  }
0x1a8: {  	[sflag:s31] =	ssyncset.done $0x0  }
0x1a9: {  	s7 =	simm.s32 $0x9D30;
	[sflag:s31] =	ssyncadd.s32 $0xFFFFF9C0  }
0x1aa: {  	v13 =	vld [tilespmem:s7+$0xFFFFFF10]  }
0x1ab: {  	s9 =	simm.s32 $0xC830;
	v17 =	vld [tilespmem:s7+$0xFFFFFF90]  }
0x1ac: {  	v7 =	vld [tilespmem:s9+$0xFFFFFFF0]  }
0x1ad: {  	v16 =	vld [tilespmem:s7+$0xFFFFFF50]  }
0x1ae: {  	v8 =	vld [tilespmem:s9+$0xFFFFFFE0]  }
0x1af: {  	v9 =	vld [tilespmem:s9+$0xFFFFFFD0];
	_ =	sdelay $0x1  }
0x1b0: {  	v18 =	vld [tilespmem:s7+$0xFFFFFFD0];
	v10 =	vadd.f32 v17, v7  }
0x1b1: {  	v11 =	vld [tilespmem:s9+$0x0]  }
0x1b2: {  	v12 =	vadd.f32 v16, v8;
	v14 =	vmul.f32 $2.000000030e-01, v10  }
0x1b3: {  	v7 =	vperm.xlane v7, v1;
	v15 =	vadd.f32 v13, v9  }
0x1b4: {  	v19 =	vmul.f32 $2.000000030e-01, v12;
	v10 =	vmax.f32 v10, v14  }
0x1b5: {  	v8 =	vperm.xlane v8, v1;
	v14 =	vmul.f32 $2.000000030e-01, v15;
	v7 =	vsub.f32 v10, v7  }
0x1b6: {  	v9 =	vperm.xlane v9, v1;
	v12 =	vmax.f32 v12, v19;
	v10 =	vadd.f32 v18, v11  }
0x1b7: {  	v8 =	vsub.f32 v12, v8;
	v14 =	vmax.f32 v15, v14;
	v7 =	vmul.f32 $1.442695020e+00, v7  }
0x1b8: {  	s10 =	simm.s32 $0xC870;
	v11 =	vperm.xlane v11, v1;
	v12 =	vmul.f32 $2.000000030e-01, v10;
	v9 =	vsub.f32 v14, v9  }
0x1b9: {  	v24 =	vld [tilespmem:s10+$0xFFFFFFE0];
	v8 =	vmul.f32 $1.442695020e+00, v8;
	(erf) = vpow2.f32 v7  }
0x1ba: {  	s6 =	simm.s32 $0x9E30;
	v31 =	vld [tilespmem:s10+$0xFFFFFFD0];
	v7 =	vmax.f32 v10, v12;
	v9 =	vmul.f32 $1.442695020e+00, v9  }
0x1bb: {  	v7 =	vsub.f32 v7, v11;
	(erf) = vpow2.f32 v8;
	v8 =	vld [tilespmem:s6+$0xFFFFFF50]  }
0x1bc: {  	(erf) = vpow2.f32 v9;
	v9 =	vld [tilespmem:s6+$0xFFFFFF10]  }
0x1bd: {  	v7 =	vmul.f32 $1.442695020e+00, v7  }
0x1be: {  	v27 =	vld [tilespmem:s10+$0xFFFFFFF0]  }
0x1bf: {  	(erf) = vpow2.f32 v7;
	v7 =	vld [tilespmem:s6+$0xFFFFFF90]  }
0x1c0: {  	v34 =	vadd.f32 v8, v24  }
0x1c1: {  	v24 =	vperm.xlane v24, v1;
	v40 =	vadd.f32 v9, v31  }
0x1c2: {  	v10 =	vld [tilespmem:s7+$0xFFFFFFA0];
	v31 =	vperm.xlane v31, v1;
	v38 =	vmul.f32 $2.000000030e-01, v34;
	v19 =	vpop (erf)  }
0x1c3: {  	v55 =	vmul.f32 $2.000000030e-01, v40;
	v11 =	vperm.xlane v19, v5  }
0x1c4: {  	v15 =	vld [tilespmem:s7+$0xFFFFFFC0];
	v22 =	vpop (erf);
	v20 =	vperm.xlane v19, v6;
	v37 =	vadd.f32 v7, v27;
	v27 =	vperm.xlane v27, v1  }
0x1c5: {  	v63 =	vperm.xlane v19, v3;
	v25 =	vperm.xlane v22, v5  }
0x1c6: {  	v29 =	vperm.xlane v22, v3;
	v35 =	vmul.f32 v0, v22  }
0x1c7: {  	v23 =	vpop (erf);
	v57 =	vperm.xlane v22, v4;
	v21 =	vmul.f32 v11, v10  }
0x1c8: {  	v26 =	vperm.xlane v23, v4;
	v12 =	vperm.xlane v23, v6  }
0x1c9: {  	v32 =	vld [tilespmem:s10+$0x0];
	v28 =	vmul.f32 v0, v23;
	v20 =	vmul.f32 v20, v15  }
0x1ca: {  	v10 =	vld [tilespmem:s6+$0xFFFFFFD0];
	v53 =	vmul.f32 $2.000000030e-01, v37;
	v16 =	vmul.f32 v57, v16;
	v30 =	vpop (erf)  }
0x1cb: {  	v34 =	vmax.f32 v34, v38;
	v13 =	vmul.f32 v26, v13;
	v11 =	vperm.xlane v30, v6  }
0x1cc: {  	v24 =	vsub.f32 v34, v24;
	v26 =	vld [tilespmem:s7+$0xFFFFFFF0];
	v33 =	vperm.xlane v30, v3;
	v36 =	vmul.f32 v0, v30  }
0x1cd: {  	v39 =	vperm.xlane v30, v4;
	v15 =	vperm.xlane v30, v5;
	v30 =	vmax.f32 v37, v53  }
0x1ce: {  	v14 =	vperm.xlane v23, v3;
	v24 =	vmul.f32 $1.442695020e+00, v24;
	v27 =	vsub.f32 v30, v27  }
0x1cf: {  	v60 =	vld [tilespmem:s7+$0xFFFFFF60];
	v13 =	vmul.f32 v2, v13;
	v30 =	vmul.f32 v2, v16;
	v54 =	vadd.f32 v10, v32  }
0x1d0: {  	v18 =	vmul.f32 v39, v18;
	v27 =	vmul.f32 $1.442695020e+00, v27  }
0x1d1: {  	v26 =	vmul.f32 v33, v26;
	v56 =	vmul.f32 $2.000000030e-01, v54;
	v33 =	vmax.f32 v40, v55  }
0x1d2: {  	v59 =	vld [tilespmem:s7+$0xFFFFFF70];
	v32 =	vperm.xlane v32, v1;
	v31 =	vsub.f32 v33, v31;
	(erf) = vpow2.f32 v27  }
0x1d3: {  	[tilespmem:s7+$0xFFFFFFA0] =	vst v21;
	v16 =	vld [tilespmem:s7+$0xFFFFFFE0];
	v13 =	vadd.f32 v28, v13;
	v18 =	vmul.f32 v2, v18;
	v58 =	vmax.f32 v54, v56  }
0x1d4: {  	v25 =	vmul.f32 v25, v60;
	v27 =	vld [tilespmem:s7+$0xFFFFFF20];
	[tilespmem:s7+$0xFFFFFFF0] =	vst v26;
	v21 =	vsub.f32 v58, v32;
	v26 =	vmul.f32 $1.442695020e+00, v31  }
0x1d5: {  	[tilespmem:s7+$0xFFFFFF10] =	vst v13;
	v13 =	vperm.xlane v19, v4;
	v18 =	vadd.f32 v36, v18;
	(erf) = vpow2.f32 v24;
	v24 =	vld [tilespmem:s7+$0xFFFFFFB0]  }
0x1d6: {  	[tilespmem:s7+$0xFFFFFFC0] =	vst v20;
	v20 =	vmul.f32 $1.442695020e+00, v21;
	(erf) = vpow2.f32 v26;
	v26 =	vld [tilespmem:s7+$0xFFFFFF80]  }
0x1d7: {  	v61 =	vadd.f32 v35, v30;
	v13 =	vmul.f32 v13, v17;
	[tilespmem:s7+$0xFFFFFFD0] =	vst v18;
	v18 =	vld [tilespmem:s7+$0xFFFFFF40];
	v21 =	vperm.xlane v23, v5  }
0x1d8: {  	[tilespmem:s7+$0xFFFFFF60] =	vst v25;
	v23 =	vmul.f32 v29, v59;
	(erf) = vpow2.f32 v20;
	v20 =	vld [tilespmem:s7+$0xFFFFFF30]  }
0x1d9: {  	v62 =	vperm.xlane v22, v6;
	[tilespmem:s7+$0xFFFFFF50] =	vst v61;
	v27 =	vmul.f32 v21, v27;
	v21 =	vld [tilespmem:s6+$0xFFFFFFA0]  }
0x1da: {  	v22 =	vmul.f32 v0, v19;
	v19 =	vld [tilespmem:s7+$0x0];
	[tilespmem:s7+$0xFFFFFF70] =	vst v23;
	v23 =	vmul.f32 v2, v13  }
0x1db: {  	s8 =	simm.s32 $0x4;
	s3 =	simm.s32 $0xC8B0;
	s0 =	simm.s32 $0x9F30;
	v17 =	vld [tilespmem:s6+$0xFFFFFFC0];
	v24 =	vmul.f32 v63, v24;
	[tilespmem:s7+$0xFFFFFF20] =	vst v27;
	v13 =	vpop (erf);
	v25 =	vmul.f32 v62, v26  }
.LBB2_9:
0x1dc: {  	v26 =	vld [tilespmem:s0+$0xFFFFFF10];
	s8 =	sadd.s32 $0x4, s8;
	v29 =	vperm.xlane v13, v5;
	v28 =	vperm.xlane v13, v6;
	v22 =	vadd.f32 v22, v23  }
0x1dd: {  	v12 =	vmul.f32 v12, v18;
	v23 =	vld [tilespmem:s0+$0xFFFFFF50];
	p2 =	slt.u32 s8, $0x60;
	v20 =	vmul.f32 v14, v20;
	[tilespmem:s7+$0xFFFFFF80] =	vst v25  }
0x1de: {  	v14 =	vmul.f32 v15, v16;
	v25 =	vld [tilespmem:s0+$0xFFFFFF90];
	v18 =	vmul.f32 v29, v21;
	v27 =	vpop (erf);
	[tilespmem:s7+$0xFFFFFFB0] =	vst v24  }
0x1df: {  	v16 =	vld [tilespmem:s0+$0xFFFFFFD0];
	v21 =	vperm.xlane v27, v5;
	v24 =	vpop (erf);
	[tilespmem:s7+$0xFFFFFF40] =	vst v12;
	v11 =	vmul.f32 v11, v19  }
0x1e0: {  	v15 =	vld [tilespmem:s3+$0xFFFFFFE0];
	v19 =	vperm.xlane v24, v4;
	v12 =	vperm.xlane v24, v6;
	[tilespmem:s7+$0xFFFFFFE0] =	vst v14  }
0x1e1: {  	v31 =	vperm.xlane v27, v3;
	v30 =	vmul.f32 v0, v24;
	v29 =	vld [tilespmem:s3+$0xFFFFFFF0];
	v32 =	vpop (erf);
	[tilespmem:s7+$0x0] =	vst v11  }
0x1e2: {  	v14 =	vperm.xlane v24, v3;
	v33 =	vld [tilespmem:s3+$0xFFFFFFD0];
	v11 =	vperm.xlane v32, v6;
	[tilespmem:s7+$0xFFFFFF30] =	vst v20  }
0x1e3: {  	v17 =	vmul.f32 v28, v17;
	v28 =	vperm.xlane v32, v3;
	v20 =	vld [tilespmem:s3+$0x0];
	[tilespmem:s7+$0xFFFFFF90] =	vst v22;
	s7 =	smov.u32 s6;
	s6 =	smov.u32 s0  }
0x1e4: {  	v19 =	vmul.f32 v19, v9;
	v9 =	vmov v26;
	v22 =	vmul.f32 v0, v27;
	[tilespmem:s7+$0xFFFFFFA0] =	vst v18;
	v18 =	vld [tilespmem:s7+$0xFFFFFFF0]  }
0x1e5: {  	v26 =	vadd.f32 v23, v15;
	v34 =	vperm.xlane v15, v1;
	[tilespmem:s7+$0xFFFFFFC0] =	vst v17;
	v17 =	vmul.f32 v0, v32  }
0x1e6: {  	v36 =	vperm.xlane v32, v4;
	v35 =	vadd.f32 v25, v29;
	v29 =	vperm.xlane v29, v1  }
0x1e7: {  	v15 =	vperm.xlane v32, v5;
	v37 =	vadd.f32 v9, v33;
	v38 =	vmul.f32 $2.000000030e-01, v26  }
0x1e8: {  	v19 =	vmul.f32 v2, v19;
	v32 =	vmul.f32 $2.000000030e-01, v35;
	v39 =	vadd.f32 v16, v20  }
0x1e9: {  	v40 =	vmul.f32 $2.000000030e-01, v37;
	v26 =	vmax.f32 v26, v38;
	v18 =	vmul.f32 v28, v18  }
0x1ea: {  	v28 =	vperm.xlane v33, v1;
	v32 =	vmax.f32 v35, v32;
	v33 =	vmul.f32 $2.000000030e-01, v39  }
0x1eb: {  	v35 =	vmax.f32 v37, v40;
	v29 =	vsub.f32 v32, v29;
	v32 =	vperm.xlane v27, v4;
	[tilespmem:s7+$0xFFFFFFF0] =	vst v18  }
0x1ec: {  	v20 =	vperm.xlane v20, v1;
	v18 =	vsub.f32 v26, v34;
	v26 =	vmax.f32 v39, v33  }
0x1ed: {  	v19 =	vadd.f32 v30, v19;
	v33 =	vmul.f32 v36, v10;
	v10 =	vmovc v16;
	v29 =	vmul.f32 $1.442695020e+00, v29;
	v30 =	vld [tilespmem:s7+$0xFFFFFF70]  }
0x1ee: {  	v16 =	vsub.f32 v35, v28;
	v18 =	vmul.f32 $1.442695020e+00, v18;
	v32 =	vmul.f32 v32, v8;
	v8 =	vmovc v23;
	v28 =	vld [tilespmem:s7+$0xFFFFFF60]  }
0x1ef: {  	v20 =	vsub.f32 v26, v20;
	(erf) = vpow2.f32 v29;
	v23 =	vld [tilespmem:s7+$0xFFFFFF20];
	[tilespmem:s7+$0xFFFFFF10] =	vst v19;
	v19 =	vmul.f32 v2, v33  }
0x1f0: {  	v26 =	vmul.f32 $1.442695020e+00, v16;
	v29 =	vmul.f32 v2, v32  }
0x1f1: {  	v24 =	vperm.xlane v24, v5;
	v20 =	vmul.f32 $1.442695020e+00, v20;
	v16 =	vld [tilespmem:s7+$0xFFFFFFE0];
	v17 =	vadd.f32 v17, v19  }
0x1f2: {  	v19 =	vadd.f32 v22, v29;
	(erf) = vpow2.f32 v18;
	v22 =	vmul.f32 v31, v30;
	v29 =	vld [tilespmem:s7+$0xFFFFFFB0]  }
0x1f3: {  	v30 =	vperm.xlane v13, v4;
	(erf) = vpow2.f32 v26;
	v26 =	vld [tilespmem:s7+$0xFFFFFF80];
	[tilespmem:s7+$0xFFFFFFD0] =	vst v17  }
.Ltmp5:
0x1f4: {  	v18 =	vld [tilespmem:s7+$0xFFFFFF40];
	v17 =	vmul.f32 v24, v23;
	v24 =	vmul.f32 v21, v28;
	[tilespmem:s7+$0xFFFFFF70] =	vst v22;
	(pc) =	sbr.rel @p2 .LBB2_9-.Ltmp5, $4  }
0x1f5: {  	(erf) = vpow2.f32 v20;
	v20 =	vld [tilespmem:s7+$0xFFFFFF30];
	[tilespmem:s7+$0xFFFFFF50] =	vst v19;
	v19 =	vmul.f32 v30, v7;
	v7 =	vmov v25  }
0x1f6: {  	v25 =	vperm.xlane v27, v6;
	v27 =	vperm.xlane v13, v3;
	v21 =	vld [tilespmem:s0+$0xFFFFFFA0];
	[tilespmem:s7+$0xFFFFFF20] =	vst v17  }
0x1f7: {  	v22 =	vmul.f32 v0, v13;
	v23 =	vmul.f32 v2, v19;
	v19 =	vld [tilespmem:s7+$0x0]  }
0x1f8: {  	s3 =	sadd.s32 $0x40, s3;
	s0 =	sadd.s32 $0x100, s0;
	v17 =	vld [tilespmem:s6+$0xFFFFFFC0];
	v13 =	vpop (erf);
	[tilespmem:s7+$0xFFFFFF60] =	vst v24;
	v25 =	vmul.f32 v25, v26;
	v24 =	vmul.f32 v27, v29  }
0x1f9: {  	v26 =	vperm.xlane v13, v5;
	v27 =	vperm.xlane v13, v6  }
0x1fa: {  	v12 =	vmul.f32 v12, v18;
	v15 =	vmul.f32 v15, v16  }
0x1fb: {  	v59 =	vperm.xlane v13, v4;
	v62 =	vmul.f32 v0, v13  }
0x1fc: {  	v14 =	vmul.f32 v14, v20;
	[tilespmem:s7+$0xFFFFFF80] =	vst v25;
	v28 =	vmul.f32 v26, v21;
	v29 =	vpop (erf)  }
0x1fd: {  	v41 =	vld [tilespmem:s6+$0xFFFFFF70];
	[tilespmem:s7+$0xFFFFFFB0] =	vst v24;
	v7 =	vmul.f32 v59, v7;
	v31 =	vperm.xlane v29, v5  }
0x1fe: {  	v22 =	vadd.f32 v22, v23;
	v43 =	vld [tilespmem:s6+$0xFFFFFF60];
	[tilespmem:s7+$0xFFFFFF40] =	vst v12;
	v11 =	vmul.f32 v11, v19;
	v40 =	vperm.xlane v29, v4  }
0x1ff: {  	v49 =	vld [tilespmem:s6+$0xFFFFFF80];
	[tilespmem:s7+$0xFFFFFFE0] =	vst v15;
	v32 =	vpop (erf);
	v46 =	vperm.xlane v29, v3;
	v48 =	vmul.f32 v0, v29  }
0x200: {  	[tilespmem:s7+$0xFFFFFF90] =	vst v22;
	v57 =	vperm.xlane v29, v6;
	v33 =	vperm.xlane v32, v4  }
0x201: {  	v56 =	vld [tilespmem:s6+$0xFFFFFF30];
	[tilespmem:s7+$0xFFFFFF30] =	vst v14;
	v35 =	vmul.f32 v0, v32;
	v37 =	vmul.f32 v27, v17  }
0x202: {  	[tilespmem:s6+$0xFFFFFFA0] =	vst v28;
	v53 =	vperm.xlane v32, v3;
	v7 =	vmul.f32 v2, v7  }
0x203: {  	v30 =	vld [tilespmem:s6+$0xFFFFFFF0];
	[tilespmem:s7+$0x0] =	vst v11;
	v8 =	vmul.f32 v40, v8;
	v51 =	vmul.f32 v46, v41  }
0x204: {  	v58 =	vld [tilespmem:s6+$0x0];
	v34 =	vpop (erf);
	v16 =	vmul.f32 v31, v43;
	v60 =	vmul.f32 v57, v49;
	[tilespmem:s6+$0xFFFFFFC0] =	vst v37  }
0x205: {  	v36 =	vperm.xlane v34, v3;
	v38 =	vperm.xlane v34, v4;
	[tilespmem:s6+$0xFFFFFF70] =	vst v51  }
0x206: {  	v9 =	vmul.f32 v33, v9;
	v11 =	vmul.f32 v53, v56;
	[tilespmem:s6+$0xFFFFFF60] =	vst v16  }
0x207: {  	v54 =	vperm.xlane v34, v6;
	v7 =	vadd.f32 v62, v7;
	v8 =	vmul.f32 v2, v8;
	[tilespmem:s6+$0xFFFFFF80] =	vst v60  }
0x208: {  	v44 =	vld [tilespmem:s6+$0xFFFFFF20];
	v39 =	vmul.f32 v36, v30;
	v10 =	vmul.f32 v38, v10;
	[tilespmem:s6+$0xFFFFFF30] =	vst v11  }
0x209: {  	v52 =	vld [tilespmem:s6+$0xFFFFFFB0];
	v9 =	vmul.f32 v2, v9;
	v63 =	vmul.f32 v54, v58;
	[tilespmem:s6+$0xFFFFFF90] =	vst v7  }
0x20a: {  	v55 =	vld [tilespmem:s6+$0xFFFFFF40];
	v42 =	vmul.f32 v0, v34;
	v8 =	vadd.f32 v48, v8;
	[tilespmem:s6+$0xFFFFFFF0] =	vst v39;
	v10 =	vmul.f32 v2, v10  }
0x20b: {  	v47 =	vld [tilespmem:s6+$0xFFFFFFE0];
	v50 =	vperm.xlane v32, v5;
	v9 =	vadd.f32 v35, v9;
	[tilespmem:s6+$0x0] =	vst v63  }
0x20c: {  	[tilespmem:s6+$0xFFFFFF50] =	vst v8;
	v8 =	vperm.xlane v13, v3;
	v10 =	vadd.f32 v42, v10  }
0x20d: {  	v45 =	vperm.xlane v32, v6;
	[tilespmem:s6+$0xFFFFFF10] =	vst v9;
	v9 =	vmul.f32 v50, v44  }
0x20e: {  	v61 =	vperm.xlane v34, v5;
	v8 =	vmul.f32 v8, v52;
	[tilespmem:s6+$0xFFFFFFD0] =	vst v10  }
0x20f: {  	s0 =	smul.u32 $0x1A0, s14;
	[tilespmem:s6+$0xFFFFFF20] =	vst v9;
	v10 =	vmul.f32 v45, v55  }
0x210: {  	[tilespmem:s6+$0xFFFFFFB0] =	vst v8;
	v8 =	vmul.f32 v61, v47  }
0x211: {  	s0 =	sshra.s32 s0, $0x2;
	[tilespmem:s6+$0xFFFFFF40] =	vst v10  }
.Ltmp6:
0x212: {  	s0 =	sadd.s32 $0x28A0, s0;
	[tilespmem:s6+$0xFFFFFFE0] =	vst v8;
	(pc) =	sbr.rel @p1 .LBB2_12-.Ltmp6, $4  }
0x213: {  	[spmem:s2] =	stream.indirect.scatter.add.f32 [tilespmem:s26], [sflag:$0x8], $0x40, s0, s15, $0xb8;
	[tilespmem:$0x16A80] =	vst v63  }
0x214: {  	_ =	swait.ge [sflag:s1], $0x1900  }
0x215: {  	[sflag:s1] =	ssyncset.done $0x0  }
0x216: {  	[sflag:s1] =	ssyncadd.s32 $0xFFFFE700  }
0x217: {  	s0 =	smul.u32 $0x1A0, s20  }
.Ltmp7:
0x218: {  	_ = 	snop;
	(pc) =	sbr.rel .LBB2_2-.Ltmp7, $4  }
0x219: {  	s3 =	sadd.s32 $0x208, s0  }
0x21a: {  	[tilespmem:s19], [sflag:$0x2] =	stream.indirect.gather [hbm4b:s4+s15], $0x40, s3, s15, $0xb8;
	[tilespmem:$0x16A80] =	vst v63  }
0x21b: {  	s20 =	sadd.s32 $0x1, s20;
	s0 =	sadd.s32 $0x2AA8, s0  }
0x21c: {  	[tilespmem:s21], [sflag:$0x2] =	stream.indirect.gather [hbm4b:s5+s15], $0x10, s0, s15, $0xb8;
	[tilespmem:$0x16A80] =	vst v63  }
.LBB2_13:
0x21d: {  	_ =	sfence.sel $0x180000  }
0x21e: {  	[bflag:$0x0] =	sbarrier.arrive $0xFFFF  }
0x21f: {  	_ =	strace $0x90000047  }
0x220: {  	s0 =	stileid.u32;
	[bflag:$0x2] =	sbarrier.arrive $0xFFFF  }
0x221: {  	p0 =	sne.s32 s0, $0x0;
	s0 =	rddreg [dreg:$0x2]  }
0x222: {  	s0 =	sadd.s32 @!p0 $0x100000, s0  }
0x223: {  	[sflag:s0] =	ssyncadd.tile.s32 @!p0 $0x1;
	_ =	shalt  }
.Lfunc_end2:
_tile_overlayer_lowered:
.L_overlay_start_2:
0x224: {  	(tag) =	ssettag $0x2  }
0x225: {  	s0 =	rddreg [dreg:$0x0];
	s2 =	stileid.u32  }
0x226: {  	s1 =	rddreg [dreg:$0x1];
	p0 =	sne.s32 s2, $0x0  }
0x227: {  	s3 =	rddreg [dreg:$0x2];
	[bflag:$0x3] =	sbarrier.arrive $0xFFFF;
	s2 =	simm.s32 @!p0 $0x1C09  }
0x228: {  	[timem:s3], [sflag:s2] =	dma.local @!p0 [hbm:s0], s1  }
0x229: {  	s0 =	simm.s32 @!p0 $0x9  }
0x22a: {  	_ =	swait.ge @!p0 [sflag:s0], s1  }
0x22b: {  	s1 =	ssub.s32 @!p0 $0x0, s1;
	[sflag:s0] =	ssyncset.done @!p0 $0x0  }
0x22c: {  	[sflag:s0] =	ssyncadd.s32 @!p0 s1  }
0x22d: {  	[bflag:$0x3] =	sbarrier.arrive $0xFFFF  }
0x22e: {  	_ =	shalt  }

</sc_bundles>
